<compile_context>
chip_gen: v7x
topology: tpu7x:2x2x1
jax: 0.10.2.dev20260603
libtpu: 0.0.44.dev20260713+nightly
codegen_flags: <defaults>
</compile_context>

<pallas_src>
import functools

import jax
import jax.numpy as jnp
from jax import lax
from jax.experimental import pallas as pl
from jax.experimental.pallas import tpu as pltpu
from jax.experimental.pallas import tpu_sc as plsc


@functools.lru_cache(maxsize=None)
def _build_gather(V, D, N):
    info = plsc.get_sparse_core_info()
    NC, NS = info.num_cores, info.num_subcores
    NW = NC * NS
    assert N % NW == 0
    b_per_w = N // NW
    C = 40
    assert b_per_w % C == 0
    n_chunks = b_per_w // C

    nbuf = 5
    K = 2
    n_outer = n_chunks // nbuf
    assert n_chunks % nbuf == 0 and n_outer >= 2

    mesh = plsc.VectorSubcoreMesh(core_axis_name="c", subcore_axis_name="s")

    @functools.partial(
        pl.kernel,
        mesh=mesh,
        out_type=jax.ShapeDtypeStruct((NW, b_per_w, D), jnp.float32),
        scratch_types=[
            pltpu.VMEM((n_chunks, C), jnp.int32),
            pltpu.VMEM((nbuf, C, D), jnp.float32),
        ]
        + [pltpu.SemaphoreType.DMA] * (2 * nbuf),
    )
    def gather_k(table_hbm, idx_hbm, out_hbm, idx_v, rows_v, *sems):
        gsem, psem = sems[:nbuf], sems[nbuf:]
        wid = lax.axis_index("s") * NC + lax.axis_index("c")
        pltpu.sync_copy(idx_hbm.at[wid], idx_v)

        def start_gather(g, b):
            pltpu.async_copy(table_hbm.at[idx_v.at[g]], rows_v.at[b], gsem[b])

        def wait_gather(g, b):
            pltpu.make_async_copy(
                out_hbm.at[wid, pl.ds(0, C)], rows_v.at[b], gsem[b]
            ).wait()

        def start_put(g, b):
            pltpu.async_copy(rows_v.at[b], out_hbm.at[wid, pl.ds(g * C, C)], psem[b])

        def wait_put(g, b):
            pltpu.make_async_copy(
                rows_v.at[b], out_hbm.at[wid, pl.ds(g * C, C)], psem[b]
            ).wait()

        for b in range(K):
            start_gather(b, b)

        for b in range(nbuf):
            wait_gather(b, b)
            start_put(b, b)
            nb = (b + K) % nbuf
            if b + K - nbuf >= 0:
                wait_put(b + K - nbuf, nb)
            start_gather(b + K, nb)

        def body(o, carry):
            g0 = o * nbuf
            for b in range(nbuf):
                g = g0 + b
                nb = (b + K) % nbuf
                wait_put(g + K - nbuf, nb)
                start_gather(g + K, nb)
                wait_gather(g, b)
                start_put(g, b)
            return carry

        lax.fori_loop(1, n_outer - 1, body, 0)

        g0 = (n_outer - 1) * nbuf
        for b in range(nbuf):
            g = g0 + b
            wait_gather(g, b)
            start_put(g, b)
            if b < nbuf - K:
                nb = (b + K) % nbuf
                wait_put(g + K - nbuf, nb)
                start_gather(g + K, nb)

        for b in range(nbuf):
            wait_put(g0 + b, b)

    return gather_k, NW, n_chunks, C


def kernel(input_ids, attention_mask, table):
    B, L = input_ids.shape
    V, D = table.shape
    N = B * L
    gather_k, NW, n_chunks, C = _build_gather(V, D, N)
    idx3 = input_ids.reshape(NW, n_chunks, C).astype(jnp.int32)
    out = gather_k(table, idx3)
    return out.reshape(B, L, D)

# --- scband reference (transcript-rebuilt; emitter-appended) ---
"""Pipeline reference for scband-fast-text-model-87978110091652 (READ-ONLY COPY).

The authoritative reference and input builder live on the scoring server;
editing this copy changes nothing except your own understanding.
"""

import jax, jax.numpy as jnp
import numpy as np

VOCAB = 100001  # len(word2vec) + 1 for a 100k-word fasttext file (incl. <pad>/<unk>)
DIM = 512
B = 1024
L = 200


def setup_inputs(seed: int = 0) -> dict:
    key = jax.random.key(seed)
    k1, k2 = jax.random.split(key)
    input_ids = jax.random.randint(k1, (B, L), 0, 100000, dtype=jnp.int64) if jax.config.read('jax_enable_x64') else jax.random.randint(k1, (B, L), 0, 100000, dtype=jnp.int32)
    attention_mask = jnp.ones((B, L), dtype=jnp.float32)
    table = jax.random.normal(k2, (VOCAB, DIM), dtype=jnp.float32)
    return {"input_ids": input_ids, "attention_mask": attention_mask, "table": table}


def reference(input_ids, attention_mask, table):
    # FastTextModel.forward with pool=False (default): plain embedding gather
    embeddings = jnp.take(table, input_ids, axis=0)
    return embeddings

if __name__ == "__main__":
    import jax
    _d = setup_inputs()
    print(jax.jit(kernel)(*tuple(_d.values())))

</pallas_src>

<mosaic_0001>
#map = affine_map<(d0, d1) -> (0, 0)>
#map1 = affine_map<(d0, d1) -> (0, 0, 0)>
module attributes {stable_mosaic.version = 14 : i64} {
  func.func @gather_k(%arg0: i32, %arg1: i32, %arg2: memref<100001x512xf32, #tpu.memory_space<hbm>>, %arg3: memref<32x160x40xi32, #tpu.memory_space<hbm>>, %arg4: memref<32x6400x512xf32, #tpu.memory_space<hbm>>, %arg5: memref<160x40xi32, #tpu.memory_space<vmem>>, %arg6: memref<5x40x512xf32, #tpu.memory_space<vmem>>, %arg7: memref<!tpu.dma_semaphore, #tpu.memory_space<semaphore_mem>>, %arg8: memref<!tpu.dma_semaphore, #tpu.memory_space<semaphore_mem>>, %arg9: memref<!tpu.dma_semaphore, #tpu.memory_space<semaphore_mem>>, %arg10: memref<!tpu.dma_semaphore, #tpu.memory_space<semaphore_mem>>, %arg11: memref<!tpu.dma_semaphore, #tpu.memory_space<semaphore_mem>>, %arg12: memref<!tpu.dma_semaphore, #tpu.memory_space<semaphore_mem>>, %arg13: memref<!tpu.dma_semaphore, #tpu.memory_space<semaphore_mem>>, %arg14: memref<!tpu.dma_semaphore, #tpu.memory_space<semaphore_mem>>, %arg15: memref<!tpu.dma_semaphore, #tpu.memory_space<semaphore_mem>>, %arg16: memref<!tpu.dma_semaphore, #tpu.memory_space<semaphore_mem>>) attributes {dimension_semantics = [#tpu.dimension_semantics<core_parallel>, #tpu.dimension_semantics<subcore_parallel>], iteration_bounds = array<i64: 2, 16>, scalar_prefetch = 0 : i64, scratch_operands = 12 : i64, tpu.core_type = #tpu.core_type<sc_vector_subcore>, window_params = [{transform_indices = #map}, {transform_indices = #map1}, {transform_indices = #map1}]} {
    %mul3A = arith.constant 2 : i32
    %mul3A_0 = arith.muli %arg1, %mul3A : i32
    %add3A = arith.addi %mul3A_0, %arg0 : i32
    "tpu.region"() ({
      %run_scoped3A = tpu.sem_alloc : memref<!tpu.dma_semaphore, #tpu.memory_space<semaphore_mem>>
      %dma_start3A_634 = arith.constant 0 : i32
      %dma_start3A_635 = arith.constant 0 : i32
      %dma_start3A_636 = tpu.memref_slice %arg3[%add3A, %dma_start3A_634, %dma_start3A_635] : memref<32x160x40xi32, #tpu.memory_space<hbm>> -> memref<1x160x40xi32, #tpu.memory_space<hbm>>
      %dma_start3A_637 = tpu.memref_squeeze %dma_start3A_636 : memref<1x160x40xi32, #tpu.memory_space<hbm>> -> memref<160x40xi32, #tpu.memory_space<hbm>>
      %dma_start3A_638 = arith.constant 0 : i32
      %dma_start3A_639 = arith.constant 0 : i32
      %dma_start3A_640 = tpu.memref_slice %arg3[%add3A, %dma_start3A_638, %dma_start3A_639] : memref<32x160x40xi32, #tpu.memory_space<hbm>> -> memref<1x160x40xi32, #tpu.memory_space<hbm>>
      %dma_start3A_641 = tpu.memref_squeeze %dma_start3A_640 : memref<1x160x40xi32, #tpu.memory_space<hbm>> -> memref<160x40xi32, #tpu.memory_space<hbm>>
      tpu.enqueue_dma source(%dma_start3A_641 : memref<160x40xi32, #tpu.memory_space<hbm>>) target(%arg5 : memref<160x40xi32, #tpu.memory_space<vmem>>) target_semaphore(%run_scoped3A : memref<!tpu.dma_semaphore, #tpu.memory_space<semaphore_mem>>)
      %dma_wait3A_642 = arith.constant 0 : i32
      %dma_wait3A_643 = arith.constant 0 : i32
      %dma_wait3A_644 = tpu.memref_slice %arg3[%add3A, %dma_wait3A_642, %dma_wait3A_643] : memref<32x160x40xi32, #tpu.memory_space<hbm>> -> memref<1x160x40xi32, #tpu.memory_space<hbm>>
      %dma_wait3A_645 = tpu.memref_squeeze %dma_wait3A_644 : memref<1x160x40xi32, #tpu.memory_space<hbm>> -> memref<160x40xi32, #tpu.memory_space<hbm>>
      %dma_wait3A_646 = arith.constant 0 : i32
      %dma_wait3A_647 = arith.constant 0 : i32
      %dma_wait3A_648 = tpu.memref_slice %arg3[%add3A, %dma_wait3A_646, %dma_wait3A_647] : memref<32x160x40xi32, #tpu.memory_space<hbm>> -> memref<1x160x40xi32, #tpu.memory_space<hbm>>
      %dma_wait3A_649 = tpu.memref_squeeze %dma_wait3A_648 : memref<1x160x40xi32, #tpu.memory_space<hbm>> -> memref<160x40xi32, #tpu.memory_space<hbm>>
      tpu.wait_dma2 semaphore(%run_scoped3A : memref<!tpu.dma_semaphore, #tpu.memory_space<semaphore_mem>>) src(%dma_wait3A_649 : memref<160x40xi32, #tpu.memory_space<hbm>>) dst(%arg5 : memref<160x40xi32, #tpu.memory_space<vmem>>)
      tpu.yield
    }) : () -> ()
    %dma_start3A = arith.constant 0 : i32
    %dma_start3A_1 = arith.constant 0 : i32
    %dma_start3A_2 = arith.constant 0 : i32
    %dma_start3A_3 = arith.constant 0 : i32
    %dma_start3A_4 = tpu.memref_slice %arg6[%dma_start3A_1, %dma_start3A_2, %dma_start3A_3] : memref<5x40x512xf32, #tpu.memory_space<vmem>> -> memref<1x40x512xf32, #tpu.memory_space<vmem>>
    %dma_start3A_5 = tpu.memref_squeeze %dma_start3A_4 : memref<1x40x512xf32, #tpu.memory_space<vmem>> -> memref<40x512xf32, #tpu.memory_space<vmem>>
    %dma_start3A_6 = arith.constant 0 : i32
    %dma_start3A_7 = tpu.memref_slice %arg5[%dma_start3A, %dma_start3A_6] : memref<160x40xi32, #tpu.memory_space<vmem>> -> memref<1x40xi32, #tpu.memory_space<vmem>>
    %dma_start3A_8 = tpu.memref_squeeze %dma_start3A_7 : memref<1x40xi32, #tpu.memory_space<vmem>> -> memref<40xi32, #tpu.memory_space<vmem>>
    %dma_start3A_9 = arith.constant 0 : i32
    %dma_start3A_10 = arith.constant 0 : i32
    %dma_start3A_11 = tpu.memref_slice %arg2[%dma_start3A_9, %dma_start3A_10] : memref<100001x512xf32, #tpu.memory_space<hbm>> -> memref<100001x512xf32, #tpu.memory_space<hbm>>
    tpu.enqueue_indirect_dma source(%dma_start3A_11 : memref<100001x512xf32, #tpu.memory_space<hbm>>) target(%dma_start3A_5 : memref<40x512xf32, #tpu.memory_space<vmem>>) offsets(%dma_start3A_8 : memref<40xi32, #tpu.memory_space<vmem>>) semaphore(%arg7 : memref<!tpu.dma_semaphore, #tpu.memory_space<semaphore_mem>>)
    %dma_start3A_12 = arith.constant 1 : i32
    %dma_start3A_13 = arith.constant 1 : i32
    %dma_start3A_14 = arith.constant 0 : i32
    %dma_start3A_15 = arith.constant 0 : i32
    %dma_start3A_16 = tpu.memref_slice %arg6[%dma_start3A_13, %dma_start3A_14, %dma_start3A_15] : memref<5x40x512xf32, #tpu.memory_space<vmem>> -> memref<1x40x512xf32, #tpu.memory_space<vmem>>
    %dma_start3A_17 = tpu.memref_squeeze %dma_start3A_16 : memref<1x40x512xf32, #tpu.memory_space<vmem>> -> memref<40x512xf32, #tpu.memory_space<vmem>>
    %dma_start3A_18 = arith.constant 0 : i32
    %dma_start3A_19 = tpu.memref_slice %arg5[%dma_start3A_12, %dma_start3A_18] : memref<160x40xi32, #tpu.memory_space<vmem>> -> memref<1x40xi32, #tpu.memory_space<vmem>>
    %dma_start3A_20 = tpu.memref_squeeze %dma_start3A_19 : memref<1x40xi32, #tpu.memory_space<vmem>> -> memref<40xi32, #tpu.memory_space<vmem>>
    %dma_start3A_21 = arith.constant 0 : i32
    %dma_start3A_22 = arith.constant 0 : i32
    %dma_start3A_23 = tpu.memref_slice %arg2[%dma_start3A_21, %dma_start3A_22] : memref<100001x512xf32, #tpu.memory_space<hbm>> -> memref<100001x512xf32, #tpu.memory_space<hbm>>
    tpu.enqueue_indirect_dma source(%dma_start3A_23 : memref<100001x512xf32, #tpu.memory_space<hbm>>) target(%dma_start3A_17 : memref<40x512xf32, #tpu.memory_space<vmem>>) offsets(%dma_start3A_20 : memref<40xi32, #tpu.memory_space<vmem>>) semaphore(%arg8 : memref<!tpu.dma_semaphore, #tpu.memory_space<semaphore_mem>>)
    %dma_wait3A = arith.constant 0 : i32
    %dma_wait3A_24 = arith.constant 0 : i32
    %dma_wait3A_25 = arith.constant 0 : i32
    %dma_wait3A_26 = tpu.memref_slice %arg6[%dma_wait3A, %dma_wait3A_24, %dma_wait3A_25] : memref<5x40x512xf32, #tpu.memory_space<vmem>> -> memref<1x40x512xf32, #tpu.memory_space<vmem>>
    %dma_wait3A_27 = tpu.memref_squeeze %dma_wait3A_26 : memref<1x40x512xf32, #tpu.memory_space<vmem>> -> memref<40x512xf32, #tpu.memory_space<vmem>>
    %dma_wait3A_28 = arith.constant 0 : i32
    %dma_wait3A_29 = arith.constant 0 : i32
    %dma_wait3A_30 = tpu.memref_slice %arg4[%add3A, %dma_wait3A_28, %dma_wait3A_29] : memref<32x6400x512xf32, #tpu.memory_space<hbm>> -> memref<1x40x512xf32, #tpu.memory_space<hbm>>
    %dma_wait3A_31 = tpu.memref_squeeze %dma_wait3A_30 : memref<1x40x512xf32, #tpu.memory_space<hbm>> -> memref<40x512xf32, #tpu.memory_space<hbm>>
    %dma_wait3A_32 = arith.constant 0 : i32
    %dma_wait3A_33 = arith.constant 0 : i32
    %dma_wait3A_34 = tpu.memref_slice %arg6[%dma_wait3A, %dma_wait3A_32, %dma_wait3A_33] : memref<5x40x512xf32, #tpu.memory_space<vmem>> -> memref<1x40x512xf32, #tpu.memory_space<vmem>>
    %dma_wait3A_35 = tpu.memref_squeeze %dma_wait3A_34 : memref<1x40x512xf32, #tpu.memory_space<vmem>> -> memref<40x512xf32, #tpu.memory_space<vmem>>
    %dma_wait3A_36 = arith.constant 0 : i32
    %dma_wait3A_37 = arith.constant 0 : i32
    %dma_wait3A_38 = tpu.memref_slice %arg4[%add3A, %dma_wait3A_36, %dma_wait3A_37] : memref<32x6400x512xf32, #tpu.memory_space<hbm>> -> memref<1x40x512xf32, #tpu.memory_space<hbm>>
    %dma_wait3A_39 = tpu.memref_squeeze %dma_wait3A_38 : memref<1x40x512xf32, #tpu.memory_space<hbm>> -> memref<40x512xf32, #tpu.memory_space<hbm>>
    tpu.wait_dma2 semaphore(%arg7 : memref<!tpu.dma_semaphore, #tpu.memory_space<semaphore_mem>>) src(%dma_wait3A_39 : memref<40x512xf32, #tpu.memory_space<hbm>>) dst(%dma_wait3A_35 : memref<40x512xf32, #tpu.memory_space<vmem>>)
    %dma_start3A_40 = arith.constant 0 : i32
    %dma_start3A_41 = arith.constant 0 : i32
    %dma_start3A_42 = arith.constant 0 : i32
    %dma_start3A_43 = tpu.memref_slice %arg6[%dma_start3A_40, %dma_start3A_41, %dma_start3A_42] : memref<5x40x512xf32, #tpu.memory_space<vmem>> -> memref<1x40x512xf32, #tpu.memory_space<vmem>>
    %dma_start3A_44 = tpu.memref_squeeze %dma_start3A_43 : memref<1x40x512xf32, #tpu.memory_space<vmem>> -> memref<40x512xf32, #tpu.memory_space<vmem>>
    %dma_start3A_45 = arith.constant 0 : i32
    %dma_start3A_46 = arith.constant 0 : i32
    %dma_start3A_47 = tpu.memref_slice %arg4[%add3A, %dma_start3A_45, %dma_start3A_46] : memref<32x6400x512xf32, #tpu.memory_space<hbm>> -> memref<1x40x512xf32, #tpu.memory_space<hbm>>
    %dma_start3A_48 = tpu.memref_squeeze %dma_start3A_47 : memref<1x40x512xf32, #tpu.memory_space<hbm>> -> memref<40x512xf32, #tpu.memory_space<hbm>>
    %dma_start3A_49 = arith.constant 0 : i32
    %dma_start3A_50 = arith.constant 0 : i32
    %dma_start3A_51 = tpu.memref_slice %arg4[%add3A, %dma_start3A_49, %dma_start3A_50] : memref<32x6400x512xf32, #tpu.memory_space<hbm>> -> memref<1x40x512xf32, #tpu.memory_space<hbm>>
    %dma_start3A_52 = tpu.memref_squeeze %dma_start3A_51 : memref<1x40x512xf32, #tpu.memory_space<hbm>> -> memref<40x512xf32, #tpu.memory_space<hbm>>
    %dma_start3A_53 = arith.constant 0 : i32
    %dma_start3A_54 = arith.constant 0 : i32
    %dma_start3A_55 = tpu.memref_slice %arg6[%dma_start3A_40, %dma_start3A_53, %dma_start3A_54] : memref<5x40x512xf32, #tpu.memory_space<vmem>> -> memref<1x40x512xf32, #tpu.memory_space<vmem>>
    %dma_start3A_56 = tpu.memref_squeeze %dma_start3A_55 : memref<1x40x512xf32, #tpu.memory_space<vmem>> -> memref<40x512xf32, #tpu.memory_space<vmem>>
    tpu.enqueue_dma source(%dma_start3A_56 : memref<40x512xf32, #tpu.memory_space<vmem>>) target(%dma_start3A_52 : memref<40x512xf32, #tpu.memory_space<hbm>>) target_semaphore(%arg12 : memref<!tpu.dma_semaphore, #tpu.memory_space<semaphore_mem>>)
    %dma_start3A_57 = arith.constant 2 : i32
    %dma_start3A_58 = arith.constant 2 : i32
    %dma_start3A_59 = arith.constant 0 : i32
    %dma_start3A_60 = arith.constant 0 : i32
    %dma_start3A_61 = tpu.memref_slice %arg6[%dma_start3A_58, %dma_start3A_59, %dma_start3A_60] : memref<5x40x512xf32, #tpu.memory_space<vmem>> -> memref<1x40x512xf32, #tpu.memory_space<vmem>>
    %dma_start3A_62 = tpu.memref_squeeze %dma_start3A_61 : memref<1x40x512xf32, #tpu.memory_space<vmem>> -> memref<40x512xf32, #tpu.memory_space<vmem>>
    %dma_start3A_63 = arith.constant 0 : i32
    %dma_start3A_64 = tpu.memref_slice %arg5[%dma_start3A_57, %dma_start3A_63] : memref<160x40xi32, #tpu.memory_space<vmem>> -> memref<1x40xi32, #tpu.memory_space<vmem>>
    %dma_start3A_65 = tpu.memref_squeeze %dma_start3A_64 : memref<1x40xi32, #tpu.memory_space<vmem>> -> memref<40xi32, #tpu.memory_space<vmem>>
    %dma_start3A_66 = arith.constant 0 : i32
    %dma_start3A_67 = arith.constant 0 : i32
    %dma_start3A_68 = tpu.memref_slice %arg2[%dma_start3A_66, %dma_start3A_67] : memref<100001x512xf32, #tpu.memory_space<hbm>> -> memref<100001x512xf32, #tpu.memory_space<hbm>>
    tpu.enqueue_indirect_dma source(%dma_start3A_68 : memref<100001x512xf32, #tpu.memory_space<hbm>>) target(%dma_start3A_62 : memref<40x512xf32, #tpu.memory_space<vmem>>) offsets(%dma_start3A_65 : memref<40xi32, #tpu.memory_space<vmem>>) semaphore(%arg9 : memref<!tpu.dma_semaphore, #tpu.memory_space<semaphore_mem>>)
    %dma_wait3A_69 = arith.constant 1 : i32
    %dma_wait3A_70 = arith.constant 0 : i32
    %dma_wait3A_71 = arith.constant 0 : i32
    %dma_wait3A_72 = tpu.memref_slice %arg6[%dma_wait3A_69, %dma_wait3A_70, %dma_wait3A_71] : memref<5x40x512xf32, #tpu.memory_space<vmem>> -> memref<1x40x512xf32, #tpu.memory_space<vmem>>
    %dma_wait3A_73 = tpu.memref_squeeze %dma_wait3A_72 : memref<1x40x512xf32, #tpu.memory_space<vmem>> -> memref<40x512xf32, #tpu.memory_space<vmem>>
    %dma_wait3A_74 = arith.constant 0 : i32
    %dma_wait3A_75 = arith.constant 0 : i32
    %dma_wait3A_76 = tpu.memref_slice %arg4[%add3A, %dma_wait3A_74, %dma_wait3A_75] : memref<32x6400x512xf32, #tpu.memory_space<hbm>> -> memref<1x40x512xf32, #tpu.memory_space<hbm>>
    %dma_wait3A_77 = tpu.memref_squeeze %dma_wait3A_76 : memref<1x40x512xf32, #tpu.memory_space<hbm>> -> memref<40x512xf32, #tpu.memory_space<hbm>>
    %dma_wait3A_78 = arith.constant 0 : i32
    %dma_wait3A_79 = arith.constant 0 : i32
    %dma_wait3A_80 = tpu.memref_slice %arg6[%dma_wait3A_69, %dma_wait3A_78, %dma_wait3A_79] : memref<5x40x512xf32, #tpu.memory_space<vmem>> -> memref<1x40x512xf32, #tpu.memory_space<vmem>>
    %dma_wait3A_81 = tpu.memref_squeeze %dma_wait3A_80 : memref<1x40x512xf32, #tpu.memory_space<vmem>> -> memref<40x512xf32, #tpu.memory_space<vmem>>
    %dma_wait3A_82 = arith.constant 0 : i32
    %dma_wait3A_83 = arith.constant 0 : i32
    %dma_wait3A_84 = tpu.memref_slice %arg4[%add3A, %dma_wait3A_82, %dma_wait3A_83] : memref<32x6400x512xf32, #tpu.memory_space<hbm>> -> memref<1x40x512xf32, #tpu.memory_space<hbm>>
    %dma_wait3A_85 = tpu.memref_squeeze %dma_wait3A_84 : memref<1x40x512xf32, #tpu.memory_space<hbm>> -> memref<40x512xf32, #tpu.memory_space<hbm>>
    tpu.wait_dma2 semaphore(%arg8 : memref<!tpu.dma_semaphore, #tpu.memory_space<semaphore_mem>>) src(%dma_wait3A_85 : memref<40x512xf32, #tpu.memory_space<hbm>>) dst(%dma_wait3A_81 : memref<40x512xf32, #tpu.memory_space<vmem>>)
    %dma_start3A_86 = arith.constant 1 : i32
    %dma_start3A_87 = arith.constant 0 : i32
    %dma_start3A_88 = arith.constant 0 : i32
    %dma_start3A_89 = tpu.memref_slice %arg6[%dma_start3A_86, %dma_start3A_87, %dma_start3A_88] : memref<5x40x512xf32, #tpu.memory_space<vmem>> -> memref<1x40x512xf32, #tpu.memory_space<vmem>>
    %dma_start3A_90 = tpu.memref_squeeze %dma_start3A_89 : memref<1x40x512xf32, #tpu.memory_space<vmem>> -> memref<40x512xf32, #tpu.memory_space<vmem>>
    %dma_start3A_91 = arith.constant 40 : i32
    %dma_start3A_92 = arith.constant 0 : i32
    %dma_start3A_93 = tpu.memref_slice %arg4[%add3A, %dma_start3A_91, %dma_start3A_92] : memref<32x6400x512xf32, #tpu.memory_space<hbm>> -> memref<1x40x512xf32, #tpu.memory_space<hbm>>
    %dma_start3A_94 = tpu.memref_squeeze %dma_start3A_93 : memref<1x40x512xf32, #tpu.memory_space<hbm>> -> memref<40x512xf32, #tpu.memory_space<hbm>>
    %dma_start3A_95 = arith.constant 40 : i32
    %dma_start3A_96 = arith.constant 0 : i32
    %dma_start3A_97 = tpu.memref_slice %arg4[%add3A, %dma_start3A_95, %dma_start3A_96] : memref<32x6400x512xf32, #tpu.memory_space<hbm>> -> memref<1x40x512xf32, #tpu.memory_space<hbm>>
    %dma_start3A_98 = tpu.memref_squeeze %dma_start3A_97 : memref<1x40x512xf32, #tpu.memory_space<hbm>> -> memref<40x512xf32, #tpu.memory_space<hbm>>
    %dma_start3A_99 = arith.constant 0 : i32
    %dma_start3A_100 = arith.constant 0 : i32
    %dma_start3A_101 = tpu.memref_slice %arg6[%dma_start3A_86, %dma_start3A_99, %dma_start3A_100] : memref<5x40x512xf32, #tpu.memory_space<vmem>> -> memref<1x40x512xf32, #tpu.memory_space<vmem>>
    %dma_start3A_102 = tpu.memref_squeeze %dma_start3A_101 : memref<1x40x512xf32, #tpu.memory_space<vmem>> -> memref<40x512xf32, #tpu.memory_space<vmem>>
    tpu.enqueue_dma source(%dma_start3A_102 : memref<40x512xf32, #tpu.memory_space<vmem>>) target(%dma_start3A_98 : memref<40x512xf32, #tpu.memory_space<hbm>>) target_semaphore(%arg13 : memref<!tpu.dma_semaphore, #tpu.memory_space<semaphore_mem>>)
    %dma_start3A_103 = arith.constant 3 : i32
    %dma_start3A_104 = arith.constant 3 : i32
    %dma_start3A_105 = arith.constant 0 : i32
    %dma_start3A_106 = arith.constant 0 : i32
    %dma_start3A_107 = tpu.memref_slice %arg6[%dma_start3A_104, %dma_start3A_105, %dma_start3A_106] : memref<5x40x512xf32, #tpu.memory_space<vmem>> -> memref<1x40x512xf32, #tpu.memory_space<vmem>>
    %dma_start3A_108 = tpu.memref_squeeze %dma_start3A_107 : memref<1x40x512xf32, #tpu.memory_space<vmem>> -> memref<40x512xf32, #tpu.memory_space<vmem>>
    %dma_start3A_109 = arith.constant 0 : i32
    %dma_start3A_110 = tpu.memref_slice %arg5[%dma_start3A_103, %dma_start3A_109] : memref<160x40xi32, #tpu.memory_space<vmem>> -> memref<1x40xi32, #tpu.memory_space<vmem>>
    %dma_start3A_111 = tpu.memref_squeeze %dma_start3A_110 : memref<1x40xi32, #tpu.memory_space<vmem>> -> memref<40xi32, #tpu.memory_space<vmem>>
    %dma_start3A_112 = arith.constant 0 : i32
    %dma_start3A_113 = arith.constant 0 : i32
    %dma_start3A_114 = tpu.memref_slice %arg2[%dma_start3A_112, %dma_start3A_113] : memref<100001x512xf32, #tpu.memory_space<hbm>> -> memref<100001x512xf32, #tpu.memory_space<hbm>>
    tpu.enqueue_indirect_dma source(%dma_start3A_114 : memref<100001x512xf32, #tpu.memory_space<hbm>>) target(%dma_start3A_108 : memref<40x512xf32, #tpu.memory_space<vmem>>) offsets(%dma_start3A_111 : memref<40xi32, #tpu.memory_space<vmem>>) semaphore(%arg10 : memref<!tpu.dma_semaphore, #tpu.memory_space<semaphore_mem>>)
    %dma_wait3A_115 = arith.constant 2 : i32
    %dma_wait3A_116 = arith.constant 0 : i32
    %dma_wait3A_117 = arith.constant 0 : i32
    %dma_wait3A_118 = tpu.memref_slice %arg6[%dma_wait3A_115, %dma_wait3A_116, %dma_wait3A_117] : memref<5x40x512xf32, #tpu.memory_space<vmem>> -> memref<1x40x512xf32, #tpu.memory_space<vmem>>
    %dma_wait3A_119 = tpu.memref_squeeze %dma_wait3A_118 : memref<1x40x512xf32, #tpu.memory_space<vmem>> -> memref<40x512xf32, #tpu.memory_space<vmem>>
    %dma_wait3A_120 = arith.constant 0 : i32
    %dma_wait3A_121 = arith.constant 0 : i32
    %dma_wait3A_122 = tpu.memref_slice %arg4[%add3A, %dma_wait3A_120, %dma_wait3A_121] : memref<32x6400x512xf32, #tpu.memory_space<hbm>> -> memref<1x40x512xf32, #tpu.memory_space<hbm>>
    %dma_wait3A_123 = tpu.memref_squeeze %dma_wait3A_122 : memref<1x40x512xf32, #tpu.memory_space<hbm>> -> memref<40x512xf32, #tpu.memory_space<hbm>>
    %dma_wait3A_124 = arith.constant 0 : i32
    %dma_wait3A_125 = arith.constant 0 : i32
    %dma_wait3A_126 = tpu.memref_slice %arg6[%dma_wait3A_115, %dma_wait3A_124, %dma_wait3A_125] : memref<5x40x512xf32, #tpu.memory_space<vmem>> -> memref<1x40x512xf32, #tpu.memory_space<vmem>>
    %dma_wait3A_127 = tpu.memref_squeeze %dma_wait3A_126 : memref<1x40x512xf32, #tpu.memory_space<vmem>> -> memref<40x512xf32, #tpu.memory_space<vmem>>
    %dma_wait3A_128 = arith.constant 0 : i32
    %dma_wait3A_129 = arith.constant 0 : i32
    %dma_wait3A_130 = tpu.memref_slice %arg4[%add3A, %dma_wait3A_128, %dma_wait3A_129] : memref<32x6400x512xf32, #tpu.memory_space<hbm>> -> memref<1x40x512xf32, #tpu.memory_space<hbm>>
    %dma_wait3A_131 = tpu.memref_squeeze %dma_wait3A_130 : memref<1x40x512xf32, #tpu.memory_space<hbm>> -> memref<40x512xf32, #tpu.memory_space<hbm>>
    tpu.wait_dma2 semaphore(%arg9 : memref<!tpu.dma_semaphore, #tpu.memory_space<semaphore_mem>>) src(%dma_wait3A_131 : memref<40x512xf32, #tpu.memory_space<hbm>>) dst(%dma_wait3A_127 : memref<40x512xf32, #tpu.memory_space<vmem>>)
    %dma_start3A_132 = arith.constant 2 : i32
    %dma_start3A_133 = arith.constant 0 : i32
    %dma_start3A_134 = arith.constant 0 : i32
    %dma_start3A_135 = tpu.memref_slice %arg6[%dma_start3A_132, %dma_start3A_133, %dma_start3A_134] : memref<5x40x512xf32, #tpu.memory_space<vmem>> -> memref<1x40x512xf32, #tpu.memory_space<vmem>>
    %dma_start3A_136 = tpu.memref_squeeze %dma_start3A_135 : memref<1x40x512xf32, #tpu.memory_space<vmem>> -> memref<40x512xf32, #tpu.memory_space<vmem>>
    %dma_start3A_137 = arith.constant 80 : i32
    %dma_start3A_138 = arith.constant 0 : i32
    %dma_start3A_139 = tpu.memref_slice %arg4[%add3A, %dma_start3A_137, %dma_start3A_138] : memref<32x6400x512xf32, #tpu.memory_space<hbm>> -> memref<1x40x512xf32, #tpu.memory_space<hbm>>
    %dma_start3A_140 = tpu.memref_squeeze %dma_start3A_139 : memref<1x40x512xf32, #tpu.memory_space<hbm>> -> memref<40x512xf32, #tpu.memory_space<hbm>>
    %dma_start3A_141 = arith.constant 80 : i32
    %dma_start3A_142 = arith.constant 0 : i32
    %dma_start3A_143 = tpu.memref_slice %arg4[%add3A, %dma_start3A_141, %dma_start3A_142] : memref<32x6400x512xf32, #tpu.memory_space<hbm>> -> memref<1x40x512xf32, #tpu.memory_space<hbm>>
    %dma_start3A_144 = tpu.memref_squeeze %dma_start3A_143 : memref<1x40x512xf32, #tpu.memory_space<hbm>> -> memref<40x512xf32, #tpu.memory_space<hbm>>
    %dma_start3A_145 = arith.constant 0 : i32
    %dma_start3A_146 = arith.constant 0 : i32
    %dma_start3A_147 = tpu.memref_slice %arg6[%dma_start3A_132, %dma_start3A_145, %dma_start3A_146] : memref<5x40x512xf32, #tpu.memory_space<vmem>> -> memref<1x40x512xf32, #tpu.memory_space<vmem>>
    %dma_start3A_148 = tpu.memref_squeeze %dma_start3A_147 : memref<1x40x512xf32, #tpu.memory_space<vmem>> -> memref<40x512xf32, #tpu.memory_space<vmem>>
    tpu.enqueue_dma source(%dma_start3A_148 : memref<40x512xf32, #tpu.memory_space<vmem>>) target(%dma_start3A_144 : memref<40x512xf32, #tpu.memory_space<hbm>>) target_semaphore(%arg14 : memref<!tpu.dma_semaphore, #tpu.memory_space<semaphore_mem>>)
    %dma_start3A_149 = arith.constant 4 : i32
    %dma_start3A_150 = arith.constant 4 : i32
    %dma_start3A_151 = arith.constant 0 : i32
    %dma_start3A_152 = arith.constant 0 : i32
    %dma_start3A_153 = tpu.memref_slice %arg6[%dma_start3A_150, %dma_start3A_151, %dma_start3A_152] : memref<5x40x512xf32, #tpu.memory_space<vmem>> -> memref<1x40x512xf32, #tpu.memory_space<vmem>>
    %dma_start3A_154 = tpu.memref_squeeze %dma_start3A_153 : memref<1x40x512xf32, #tpu.memory_space<vmem>> -> memref<40x512xf32, #tpu.memory_space<vmem>>
    %dma_start3A_155 = arith.constant 0 : i32
    %dma_start3A_156 = tpu.memref_slice %arg5[%dma_start3A_149, %dma_start3A_155] : memref<160x40xi32, #tpu.memory_space<vmem>> -> memref<1x40xi32, #tpu.memory_space<vmem>>
    %dma_start3A_157 = tpu.memref_squeeze %dma_start3A_156 : memref<1x40xi32, #tpu.memory_space<vmem>> -> memref<40xi32, #tpu.memory_space<vmem>>
    %dma_start3A_158 = arith.constant 0 : i32
    %dma_start3A_159 = arith.constant 0 : i32
    %dma_start3A_160 = tpu.memref_slice %arg2[%dma_start3A_158, %dma_start3A_159] : memref<100001x512xf32, #tpu.memory_space<hbm>> -> memref<100001x512xf32, #tpu.memory_space<hbm>>
    tpu.enqueue_indirect_dma source(%dma_start3A_160 : memref<100001x512xf32, #tpu.memory_space<hbm>>) target(%dma_start3A_154 : memref<40x512xf32, #tpu.memory_space<vmem>>) offsets(%dma_start3A_157 : memref<40xi32, #tpu.memory_space<vmem>>) semaphore(%arg11 : memref<!tpu.dma_semaphore, #tpu.memory_space<semaphore_mem>>)
    %dma_wait3A_161 = arith.constant 3 : i32
    %dma_wait3A_162 = arith.constant 0 : i32
    %dma_wait3A_163 = arith.constant 0 : i32
    %dma_wait3A_164 = tpu.memref_slice %arg6[%dma_wait3A_161, %dma_wait3A_162, %dma_wait3A_163] : memref<5x40x512xf32, #tpu.memory_space<vmem>> -> memref<1x40x512xf32, #tpu.memory_space<vmem>>
    %dma_wait3A_165 = tpu.memref_squeeze %dma_wait3A_164 : memref<1x40x512xf32, #tpu.memory_space<vmem>> -> memref<40x512xf32, #tpu.memory_space<vmem>>
    %dma_wait3A_166 = arith.constant 0 : i32
    %dma_wait3A_167 = arith.constant 0 : i32
    %dma_wait3A_168 = tpu.memref_slice %arg4[%add3A, %dma_wait3A_166, %dma_wait3A_167] : memref<32x6400x512xf32, #tpu.memory_space<hbm>> -> memref<1x40x512xf32, #tpu.memory_space<hbm>>
    %dma_wait3A_169 = tpu.memref_squeeze %dma_wait3A_168 : memref<1x40x512xf32, #tpu.memory_space<hbm>> -> memref<40x512xf32, #tpu.memory_space<hbm>>
    %dma_wait3A_170 = arith.constant 0 : i32
    %dma_wait3A_171 = arith.constant 0 : i32
    %dma_wait3A_172 = tpu.memref_slice %arg6[%dma_wait3A_161, %dma_wait3A_170, %dma_wait3A_171] : memref<5x40x512xf32, #tpu.memory_space<vmem>> -> memref<1x40x512xf32, #tpu.memory_space<vmem>>
    %dma_wait3A_173 = tpu.memref_squeeze %dma_wait3A_172 : memref<1x40x512xf32, #tpu.memory_space<vmem>> -> memref<40x512xf32, #tpu.memory_space<vmem>>
    %dma_wait3A_174 = arith.constant 0 : i32
    %dma_wait3A_175 = arith.constant 0 : i32
    %dma_wait3A_176 = tpu.memref_slice %arg4[%add3A, %dma_wait3A_174, %dma_wait3A_175] : memref<32x6400x512xf32, #tpu.memory_space<hbm>> -> memref<1x40x512xf32, #tpu.memory_space<hbm>>
    %dma_wait3A_177 = tpu.memref_squeeze %dma_wait3A_176 : memref<1x40x512xf32, #tpu.memory_space<hbm>> -> memref<40x512xf32, #tpu.memory_space<hbm>>
    tpu.wait_dma2 semaphore(%arg10 : memref<!tpu.dma_semaphore, #tpu.memory_space<semaphore_mem>>) src(%dma_wait3A_177 : memref<40x512xf32, #tpu.memory_space<hbm>>) dst(%dma_wait3A_173 : memref<40x512xf32, #tpu.memory_space<vmem>>)
    %dma_start3A_178 = arith.constant 3 : i32
    %dma_start3A_179 = arith.constant 0 : i32
    %dma_start3A_180 = arith.constant 0 : i32
    %dma_start3A_181 = tpu.memref_slice %arg6[%dma_start3A_178, %dma_start3A_179, %dma_start3A_180] : memref<5x40x512xf32, #tpu.memory_space<vmem>> -> memref<1x40x512xf32, #tpu.memory_space<vmem>>
    %dma_start3A_182 = tpu.memref_squeeze %dma_start3A_181 : memref<1x40x512xf32, #tpu.memory_space<vmem>> -> memref<40x512xf32, #tpu.memory_space<vmem>>
    %dma_start3A_183 = arith.constant 120 : i32
    %dma_start3A_184 = arith.constant 0 : i32
    %dma_start3A_185 = tpu.memref_slice %arg4[%add3A, %dma_start3A_183, %dma_start3A_184] : memref<32x6400x512xf32, #tpu.memory_space<hbm>> -> memref<1x40x512xf32, #tpu.memory_space<hbm>>
    %dma_start3A_186 = tpu.memref_squeeze %dma_start3A_185 : memref<1x40x512xf32, #tpu.memory_space<hbm>> -> memref<40x512xf32, #tpu.memory_space<hbm>>
    %dma_start3A_187 = arith.constant 120 : i32
    %dma_start3A_188 = arith.constant 0 : i32
    %dma_start3A_189 = tpu.memref_slice %arg4[%add3A, %dma_start3A_187, %dma_start3A_188] : memref<32x6400x512xf32, #tpu.memory_space<hbm>> -> memref<1x40x512xf32, #tpu.memory_space<hbm>>
    %dma_start3A_190 = tpu.memref_squeeze %dma_start3A_189 : memref<1x40x512xf32, #tpu.memory_space<hbm>> -> memref<40x512xf32, #tpu.memory_space<hbm>>
    %dma_start3A_191 = arith.constant 0 : i32
    %dma_start3A_192 = arith.constant 0 : i32
    %dma_start3A_193 = tpu.memref_slice %arg6[%dma_start3A_178, %dma_start3A_191, %dma_start3A_192] : memref<5x40x512xf32, #tpu.memory_space<vmem>> -> memref<1x40x512xf32, #tpu.memory_space<vmem>>
    %dma_start3A_194 = tpu.memref_squeeze %dma_start3A_193 : memref<1x40x512xf32, #tpu.memory_space<vmem>> -> memref<40x512xf32, #tpu.memory_space<vmem>>
    tpu.enqueue_dma source(%dma_start3A_194 : memref<40x512xf32, #tpu.memory_space<vmem>>) target(%dma_start3A_190 : memref<40x512xf32, #tpu.memory_space<hbm>>) target_semaphore(%arg15 : memref<!tpu.dma_semaphore, #tpu.memory_space<semaphore_mem>>)
    %dma_wait3A_195 = arith.constant 0 : i32
    %dma_wait3A_196 = arith.constant 0 : i32
    %dma_wait3A_197 = arith.constant 0 : i32
    %dma_wait3A_198 = tpu.memref_slice %arg6[%dma_wait3A_195, %dma_wait3A_196, %dma_wait3A_197] : memref<5x40x512xf32, #tpu.memory_space<vmem>> -> memref<1x40x512xf32, #tpu.memory_space<vmem>>
    %dma_wait3A_199 = tpu.memref_squeeze %dma_wait3A_198 : memref<1x40x512xf32, #tpu.memory_space<vmem>> -> memref<40x512xf32, #tpu.memory_space<vmem>>
    %dma_wait3A_200 = arith.constant 0 : i32
    %dma_wait3A_201 = arith.constant 0 : i32
    %dma_wait3A_202 = tpu.memref_slice %arg4[%add3A, %dma_wait3A_200, %dma_wait3A_201] : memref<32x6400x512xf32, #tpu.memory_space<hbm>> -> memref<1x40x512xf32, #tpu.memory_space<hbm>>
    %dma_wait3A_203 = tpu.memref_squeeze %dma_wait3A_202 : memref<1x40x512xf32, #tpu.memory_space<hbm>> -> memref<40x512xf32, #tpu.memory_space<hbm>>
    %dma_wait3A_204 = arith.constant 0 : i32
    %dma_wait3A_205 = arith.constant 0 : i32
    %dma_wait3A_206 = tpu.memref_slice %arg4[%add3A, %dma_wait3A_204, %dma_wait3A_205] : memref<32x6400x512xf32, #tpu.memory_space<hbm>> -> memref<1x40x512xf32, #tpu.memory_space<hbm>>
    %dma_wait3A_207 = tpu.memref_squeeze %dma_wait3A_206 : memref<1x40x512xf32, #tpu.memory_space<hbm>> -> memref<40x512xf32, #tpu.memory_space<hbm>>
    %dma_wait3A_208 = arith.constant 0 : i32
    %dma_wait3A_209 = arith.constant 0 : i32
    %dma_wait3A_210 = tpu.memref_slice %arg6[%dma_wait3A_195, %dma_wait3A_208, %dma_wait3A_209] : memref<5x40x512xf32, #tpu.memory_space<vmem>> -> memref<1x40x512xf32, #tpu.memory_space<vmem>>
    %dma_wait3A_211 = tpu.memref_squeeze %dma_wait3A_210 : memref<1x40x512xf32, #tpu.memory_space<vmem>> -> memref<40x512xf32, #tpu.memory_space<vmem>>
    tpu.wait_dma2 semaphore(%arg12 : memref<!tpu.dma_semaphore, #tpu.memory_space<semaphore_mem>>) src(%dma_wait3A_211 : memref<40x512xf32, #tpu.memory_space<vmem>>) dst(%dma_wait3A_207 : memref<40x512xf32, #tpu.memory_space<hbm>>)
    %dma_start3A_212 = arith.constant 5 : i32
    %dma_start3A_213 = arith.constant 0 : i32
    %dma_start3A_214 = arith.constant 0 : i32
    %dma_start3A_215 = arith.constant 0 : i32
    %dma_start3A_216 = tpu.memref_slice %arg6[%dma_start3A_213, %dma_start3A_214, %dma_start3A_215] : memref<5x40x512xf32, #tpu.memory_space<vmem>> -> memref<1x40x512xf32, #tpu.memory_space<vmem>>
    %dma_start3A_217 = tpu.memref_squeeze %dma_start3A_216 : memref<1x40x512xf32, #tpu.memory_space<vmem>> -> memref<40x512xf32, #tpu.memory_space<vmem>>
    %dma_start3A_218 = arith.constant 0 : i32
    %dma_start3A_219 = tpu.memref_slice %arg5[%dma_start3A_212, %dma_start3A_218] : memref<160x40xi32, #tpu.memory_space<vmem>> -> memref<1x40xi32, #tpu.memory_space<vmem>>
    %dma_start3A_220 = tpu.memref_squeeze %dma_start3A_219 : memref<1x40xi32, #tpu.memory_space<vmem>> -> memref<40xi32, #tpu.memory_space<vmem>>
    %dma_start3A_221 = arith.constant 0 : i32
    %dma_start3A_222 = arith.constant 0 : i32
    %dma_start3A_223 = tpu.memref_slice %arg2[%dma_start3A_221, %dma_start3A_222] : memref<100001x512xf32, #tpu.memory_space<hbm>> -> memref<100001x512xf32, #tpu.memory_space<hbm>>
    tpu.enqueue_indirect_dma source(%dma_start3A_223 : memref<100001x512xf32, #tpu.memory_space<hbm>>) target(%dma_start3A_217 : memref<40x512xf32, #tpu.memory_space<vmem>>) offsets(%dma_start3A_220 : memref<40xi32, #tpu.memory_space<vmem>>) semaphore(%arg7 : memref<!tpu.dma_semaphore, #tpu.memory_space<semaphore_mem>>)
    %dma_wait3A_224 = arith.constant 4 : i32
    %dma_wait3A_225 = arith.constant 0 : i32
    %dma_wait3A_226 = arith.constant 0 : i32
    %dma_wait3A_227 = tpu.memref_slice %arg6[%dma_wait3A_224, %dma_wait3A_225, %dma_wait3A_226] : memref<5x40x512xf32, #tpu.memory_space<vmem>> -> memref<1x40x512xf32, #tpu.memory_space<vmem>>
    %dma_wait3A_228 = tpu.memref_squeeze %dma_wait3A_227 : memref<1x40x512xf32, #tpu.memory_space<vmem>> -> memref<40x512xf32, #tpu.memory_space<vmem>>
    %dma_wait3A_229 = arith.constant 0 : i32
    %dma_wait3A_230 = arith.constant 0 : i32
    %dma_wait3A_231 = tpu.memref_slice %arg4[%add3A, %dma_wait3A_229, %dma_wait3A_230] : memref<32x6400x512xf32, #tpu.memory_space<hbm>> -> memref<1x40x512xf32, #tpu.memory_space<hbm>>
    %dma_wait3A_232 = tpu.memref_squeeze %dma_wait3A_231 : memref<1x40x512xf32, #tpu.memory_space<hbm>> -> memref<40x512xf32, #tpu.memory_space<hbm>>
    %dma_wait3A_233 = arith.constant 0 : i32
    %dma_wait3A_234 = arith.constant 0 : i32
    %dma_wait3A_235 = tpu.memref_slice %arg6[%dma_wait3A_224, %dma_wait3A_233, %dma_wait3A_234] : memref<5x40x512xf32, #tpu.memory_space<vmem>> -> memref<1x40x512xf32, #tpu.memory_space<vmem>>
    %dma_wait3A_236 = tpu.memref_squeeze %dma_wait3A_235 : memref<1x40x512xf32, #tpu.memory_space<vmem>> -> memref<40x512xf32, #tpu.memory_space<vmem>>
    %dma_wait3A_237 = arith.constant 0 : i32
    %dma_wait3A_238 = arith.constant 0 : i32
    %dma_wait3A_239 = tpu.memref_slice %arg4[%add3A, %dma_wait3A_237, %dma_wait3A_238] : memref<32x6400x512xf32, #tpu.memory_space<hbm>> -> memref<1x40x512xf32, #tpu.memory_space<hbm>>
    %dma_wait3A_240 = tpu.memref_squeeze %dma_wait3A_239 : memref<1x40x512xf32, #tpu.memory_space<hbm>> -> memref<40x512xf32, #tpu.memory_space<hbm>>
    tpu.wait_dma2 semaphore(%arg11 : memref<!tpu.dma_semaphore, #tpu.memory_space<semaphore_mem>>) src(%dma_wait3A_240 : memref<40x512xf32, #tpu.memory_space<hbm>>) dst(%dma_wait3A_236 : memref<40x512xf32, #tpu.memory_space<vmem>>)
    %dma_start3A_241 = arith.constant 4 : i32
    %dma_start3A_242 = arith.constant 0 : i32
    %dma_start3A_243 = arith.constant 0 : i32
    %dma_start3A_244 = tpu.memref_slice %arg6[%dma_start3A_241, %dma_start3A_242, %dma_start3A_243] : memref<5x40x512xf32, #tpu.memory_space<vmem>> -> memref<1x40x512xf32, #tpu.memory_space<vmem>>
    %dma_start3A_245 = tpu.memref_squeeze %dma_start3A_244 : memref<1x40x512xf32, #tpu.memory_space<vmem>> -> memref<40x512xf32, #tpu.memory_space<vmem>>
    %dma_start3A_246 = arith.constant 160 : i32
    %dma_start3A_247 = arith.constant 0 : i32
    %dma_start3A_248 = tpu.memref_slice %arg4[%add3A, %dma_start3A_246, %dma_start3A_247] : memref<32x6400x512xf32, #tpu.memory_space<hbm>> -> memref<1x40x512xf32, #tpu.memory_space<hbm>>
    %dma_start3A_249 = tpu.memref_squeeze %dma_start3A_248 : memref<1x40x512xf32, #tpu.memory_space<hbm>> -> memref<40x512xf32, #tpu.memory_space<hbm>>
    %dma_start3A_250 = arith.constant 160 : i32
    %dma_start3A_251 = arith.constant 0 : i32
    %dma_start3A_252 = tpu.memref_slice %arg4[%add3A, %dma_start3A_250, %dma_start3A_251] : memref<32x6400x512xf32, #tpu.memory_space<hbm>> -> memref<1x40x512xf32, #tpu.memory_space<hbm>>
    %dma_start3A_253 = tpu.memref_squeeze %dma_start3A_252 : memref<1x40x512xf32, #tpu.memory_space<hbm>> -> memref<40x512xf32, #tpu.memory_space<hbm>>
    %dma_start3A_254 = arith.constant 0 : i32
    %dma_start3A_255 = arith.constant 0 : i32
    %dma_start3A_256 = tpu.memref_slice %arg6[%dma_start3A_241, %dma_start3A_254, %dma_start3A_255] : memref<5x40x512xf32, #tpu.memory_space<vmem>> -> memref<1x40x512xf32, #tpu.memory_space<vmem>>
    %dma_start3A_257 = tpu.memref_squeeze %dma_start3A_256 : memref<1x40x512xf32, #tpu.memory_space<vmem>> -> memref<40x512xf32, #tpu.memory_space<vmem>>
    tpu.enqueue_dma source(%dma_start3A_257 : memref<40x512xf32, #tpu.memory_space<vmem>>) target(%dma_start3A_253 : memref<40x512xf32, #tpu.memory_space<hbm>>) target_semaphore(%arg16 : memref<!tpu.dma_semaphore, #tpu.memory_space<semaphore_mem>>)
    %dma_wait3A_258 = arith.constant 1 : i32
    %dma_wait3A_259 = arith.constant 0 : i32
    %dma_wait3A_260 = arith.constant 0 : i32
    %dma_wait3A_261 = tpu.memref_slice %arg6[%dma_wait3A_258, %dma_wait3A_259, %dma_wait3A_260] : memref<5x40x512xf32, #tpu.memory_space<vmem>> -> memref<1x40x512xf32, #tpu.memory_space<vmem>>
    %dma_wait3A_262 = tpu.memref_squeeze %dma_wait3A_261 : memref<1x40x512xf32, #tpu.memory_space<vmem>> -> memref<40x512xf32, #tpu.memory_space<vmem>>
    %dma_wait3A_263 = arith.constant 40 : i32
    %dma_wait3A_264 = arith.constant 0 : i32
    %dma_wait3A_265 = tpu.memref_slice %arg4[%add3A, %dma_wait3A_263, %dma_wait3A_264] : memref<32x6400x512xf32, #tpu.memory_space<hbm>> -> memref<1x40x512xf32, #tpu.memory_space<hbm>>
    %dma_wait3A_266 = tpu.memref_squeeze %dma_wait3A_265 : memref<1x40x512xf32, #tpu.memory_space<hbm>> -> memref<40x512xf32, #tpu.memory_space<hbm>>
    %dma_wait3A_267 = arith.constant 40 : i32
    %dma_wait3A_268 = arith.constant 0 : i32
    %dma_wait3A_269 = tpu.memref_slice %arg4[%add3A, %dma_wait3A_267, %dma_wait3A_268] : memref<32x6400x512xf32, #tpu.memory_space<hbm>> -> memref<1x40x512xf32, #tpu.memory_space<hbm>>
    %dma_wait3A_270 = tpu.memref_squeeze %dma_wait3A_269 : memref<1x40x512xf32, #tpu.memory_space<hbm>> -> memref<40x512xf32, #tpu.memory_space<hbm>>
    %dma_wait3A_271 = arith.constant 0 : i32
    %dma_wait3A_272 = arith.constant 0 : i32
    %dma_wait3A_273 = tpu.memref_slice %arg6[%dma_wait3A_258, %dma_wait3A_271, %dma_wait3A_272] : memref<5x40x512xf32, #tpu.memory_space<vmem>> -> memref<1x40x512xf32, #tpu.memory_space<vmem>>
    %dma_wait3A_274 = tpu.memref_squeeze %dma_wait3A_273 : memref<1x40x512xf32, #tpu.memory_space<vmem>> -> memref<40x512xf32, #tpu.memory_space<vmem>>
    tpu.wait_dma2 semaphore(%arg13 : memref<!tpu.dma_semaphore, #tpu.memory_space<semaphore_mem>>) src(%dma_wait3A_274 : memref<40x512xf32, #tpu.memory_space<vmem>>) dst(%dma_wait3A_270 : memref<40x512xf32, #tpu.memory_space<hbm>>)
    %dma_start3A_275 = arith.constant 6 : i32
    %dma_start3A_276 = arith.constant 1 : i32
    %dma_start3A_277 = arith.constant 0 : i32
    %dma_start3A_278 = arith.constant 0 : i32
    %dma_start3A_279 = tpu.memref_slice %arg6[%dma_start3A_276, %dma_start3A_277, %dma_start3A_278] : memref<5x40x512xf32, #tpu.memory_space<vmem>> -> memref<1x40x512xf32, #tpu.memory_space<vmem>>
    %dma_start3A_280 = tpu.memref_squeeze %dma_start3A_279 : memref<1x40x512xf32, #tpu.memory_space<vmem>> -> memref<40x512xf32, #tpu.memory_space<vmem>>
    %dma_start3A_281 = arith.constant 0 : i32
    %dma_start3A_282 = tpu.memref_slice %arg5[%dma_start3A_275, %dma_start3A_281] : memref<160x40xi32, #tpu.memory_space<vmem>> -> memref<1x40xi32, #tpu.memory_space<vmem>>
    %dma_start3A_283 = tpu.memref_squeeze %dma_start3A_282 : memref<1x40xi32, #tpu.memory_space<vmem>> -> memref<40xi32, #tpu.memory_space<vmem>>
    %dma_start3A_284 = arith.constant 0 : i32
    %dma_start3A_285 = arith.constant 0 : i32
    %dma_start3A_286 = tpu.memref_slice %arg2[%dma_start3A_284, %dma_start3A_285] : memref<100001x512xf32, #tpu.memory_space<hbm>> -> memref<100001x512xf32, #tpu.memory_space<hbm>>
    tpu.enqueue_indirect_dma source(%dma_start3A_286 : memref<100001x512xf32, #tpu.memory_space<hbm>>) target(%dma_start3A_280 : memref<40x512xf32, #tpu.memory_space<vmem>>) offsets(%dma_start3A_283 : memref<40xi32, #tpu.memory_space<vmem>>) semaphore(%arg8 : memref<!tpu.dma_semaphore, #tpu.memory_space<semaphore_mem>>)
    %scan3A = arith.constant 0 : i32
    %scan3A_287 = arith.constant 1 : i32
    %scan3A_288 = arith.constant 30 : i32
    %scan3A_289 = arith.addi %scan3A_287, %scan3A_288 : i32
    %scan3A_290 = arith.constant 1 : i32
    scf.for %scan3A_634 = %scan3A_287 to %scan3A_289 step %scan3A_290  : i32 {
      %mul3A_635 = arith.constant 5 : i32
      %mul3A_636 = arith.muli %scan3A_634, %mul3A_635 : i32
      %add3A_637 = arith.constant 0 : i32
      %add3A_638 = arith.addi %mul3A_636, %add3A_637 : i32
      %add3A_639 = arith.constant 2 : i32
      %add3A_640 = arith.addi %add3A_638, %add3A_639 : i32
      %sub3A = arith.constant 5 : i32
      %sub3A_641 = arith.subi %add3A_640, %sub3A : i32
      %mul3A_642 = arith.constant 40 : i32
      %mul3A_643 = arith.muli %sub3A_641, %mul3A_642 : i32
      %dma_wait3A_644 = arith.constant 2 : i32
      %dma_wait3A_645 = arith.constant 0 : i32
      %dma_wait3A_646 = arith.constant 0 : i32
      %dma_wait3A_647 = tpu.memref_slice %arg6[%dma_wait3A_644, %dma_wait3A_645, %dma_wait3A_646] : memref<5x40x512xf32, #tpu.memory_space<vmem>> -> memref<1x40x512xf32, #tpu.memory_space<vmem>>
      %dma_wait3A_648 = tpu.memref_squeeze %dma_wait3A_647 : memref<1x40x512xf32, #tpu.memory_space<vmem>> -> memref<40x512xf32, #tpu.memory_space<vmem>>
      %dma_wait3A_649 = arith.constant 0 : i32
      %dma_wait3A_650 = tpu.memref_slice %arg4[%add3A, %mul3A_643, %dma_wait3A_649] : memref<32x6400x512xf32, #tpu.memory_space<hbm>> -> memref<1x40x512xf32, #tpu.memory_space<hbm>>
      %dma_wait3A_651 = tpu.memref_squeeze %dma_wait3A_650 : memref<1x40x512xf32, #tpu.memory_space<hbm>> -> memref<40x512xf32, #tpu.memory_space<hbm>>
      %dma_wait3A_652 = arith.constant 0 : i32
      %dma_wait3A_653 = tpu.memref_slice %arg4[%add3A, %mul3A_643, %dma_wait3A_652] : memref<32x6400x512xf32, #tpu.memory_space<hbm>> -> memref<1x40x512xf32, #tpu.memory_space<hbm>>
      %dma_wait3A_654 = tpu.memref_squeeze %dma_wait3A_653 : memref<1x40x512xf32, #tpu.memory_space<hbm>> -> memref<40x512xf32, #tpu.memory_space<hbm>>
      %dma_wait3A_655 = arith.constant 0 : i32
      %dma_wait3A_656 = arith.constant 0 : i32
      %dma_wait3A_657 = tpu.memref_slice %arg6[%dma_wait3A_644, %dma_wait3A_655, %dma_wait3A_656] : memref<5x40x512xf32, #tpu.memory_space<vmem>> -> memref<1x40x512xf32, #tpu.memory_space<vmem>>
      %dma_wait3A_658 = tpu.memref_squeeze %dma_wait3A_657 : memref<1x40x512xf32, #tpu.memory_space<vmem>> -> memref<40x512xf32, #tpu.memory_space<vmem>>
      tpu.wait_dma2 semaphore(%arg14 : memref<!tpu.dma_semaphore, #tpu.memory_space<semaphore_mem>>) src(%dma_wait3A_658 : memref<40x512xf32, #tpu.memory_space<vmem>>) dst(%dma_wait3A_654 : memref<40x512xf32, #tpu.memory_space<hbm>>)
      %add3A_659 = arith.constant 2 : i32
      %add3A_660 = arith.addi %add3A_638, %add3A_659 : i32
      %dma_start3A_661 = arith.constant 2 : i32
      %dma_start3A_662 = arith.constant 0 : i32
      %dma_start3A_663 = arith.constant 0 : i32
      %dma_start3A_664 = tpu.memref_slice %arg6[%dma_start3A_661, %dma_start3A_662, %dma_start3A_663] : memref<5x40x512xf32, #tpu.memory_space<vmem>> -> memref<1x40x512xf32, #tpu.memory_space<vmem>>
      %dma_start3A_665 = tpu.memref_squeeze %dma_start3A_664 : memref<1x40x512xf32, #tpu.memory_space<vmem>> -> memref<40x512xf32, #tpu.memory_space<vmem>>
      %dma_start3A_666 = arith.constant 0 : i32
      %dma_start3A_667 = tpu.memref_slice %arg5[%add3A_660, %dma_start3A_666] : memref<160x40xi32, #tpu.memory_space<vmem>> -> memref<1x40xi32, #tpu.memory_space<vmem>>
      %dma_start3A_668 = tpu.memref_squeeze %dma_start3A_667 : memref<1x40xi32, #tpu.memory_space<vmem>> -> memref<40xi32, #tpu.memory_space<vmem>>
      %dma_start3A_669 = arith.constant 0 : i32
      %dma_start3A_670 = arith.constant 0 : i32
      %dma_start3A_671 = tpu.memref_slice %arg2[%dma_start3A_669, %dma_start3A_670] : memref<100001x512xf32, #tpu.memory_space<hbm>> -> memref<100001x512xf32, #tpu.memory_space<hbm>>
      tpu.enqueue_indirect_dma source(%dma_start3A_671 : memref<100001x512xf32, #tpu.memory_space<hbm>>) target(%dma_start3A_665 : memref<40x512xf32, #tpu.memory_space<vmem>>) offsets(%dma_start3A_668 : memref<40xi32, #tpu.memory_space<vmem>>) semaphore(%arg9 : memref<!tpu.dma_semaphore, #tpu.memory_space<semaphore_mem>>)
      %dma_wait3A_672 = arith.constant 0 : i32
      %dma_wait3A_673 = arith.constant 0 : i32
      %dma_wait3A_674 = arith.constant 0 : i32
      %dma_wait3A_675 = tpu.memref_slice %arg6[%dma_wait3A_672, %dma_wait3A_673, %dma_wait3A_674] : memref<5x40x512xf32, #tpu.memory_space<vmem>> -> memref<1x40x512xf32, #tpu.memory_space<vmem>>
      %dma_wait3A_676 = tpu.memref_squeeze %dma_wait3A_675 : memref<1x40x512xf32, #tpu.memory_space<vmem>> -> memref<40x512xf32, #tpu.memory_space<vmem>>
      %dma_wait3A_677 = arith.constant 0 : i32
      %dma_wait3A_678 = arith.constant 0 : i32
      %dma_wait3A_679 = tpu.memref_slice %arg4[%add3A, %dma_wait3A_677, %dma_wait3A_678] : memref<32x6400x512xf32, #tpu.memory_space<hbm>> -> memref<1x40x512xf32, #tpu.memory_space<hbm>>
      %dma_wait3A_680 = tpu.memref_squeeze %dma_wait3A_679 : memref<1x40x512xf32, #tpu.memory_space<hbm>> -> memref<40x512xf32, #tpu.memory_space<hbm>>
      %dma_wait3A_681 = arith.constant 0 : i32
      %dma_wait3A_682 = arith.constant 0 : i32
      %dma_wait3A_683 = tpu.memref_slice %arg6[%dma_wait3A_672, %dma_wait3A_681, %dma_wait3A_682] : memref<5x40x512xf32, #tpu.memory_space<vmem>> -> memref<1x40x512xf32, #tpu.memory_space<vmem>>
      %dma_wait3A_684 = tpu.memref_squeeze %dma_wait3A_683 : memref<1x40x512xf32, #tpu.memory_space<vmem>> -> memref<40x512xf32, #tpu.memory_space<vmem>>
      %dma_wait3A_685 = arith.constant 0 : i32
      %dma_wait3A_686 = arith.constant 0 : i32
      %dma_wait3A_687 = tpu.memref_slice %arg4[%add3A, %dma_wait3A_685, %dma_wait3A_686] : memref<32x6400x512xf32, #tpu.memory_space<hbm>> -> memref<1x40x512xf32, #tpu.memory_space<hbm>>
      %dma_wait3A_688 = tpu.memref_squeeze %dma_wait3A_687 : memref<1x40x512xf32, #tpu.memory_space<hbm>> -> memref<40x512xf32, #tpu.memory_space<hbm>>
      tpu.wait_dma2 semaphore(%arg7 : memref<!tpu.dma_semaphore, #tpu.memory_space<semaphore_mem>>) src(%dma_wait3A_688 : memref<40x512xf32, #tpu.memory_space<hbm>>) dst(%dma_wait3A_684 : memref<40x512xf32, #tpu.memory_space<vmem>>)
      %mul3A_689 = arith.constant 40 : i32
      %mul3A_690 = arith.muli %add3A_638, %mul3A_689 : i32
      %dma_start3A_691 = arith.constant 0 : i32
      %dma_start3A_692 = arith.constant 0 : i32
      %dma_start3A_693 = arith.constant 0 : i32
      %dma_start3A_694 = tpu.memref_slice %arg6[%dma_start3A_691, %dma_start3A_692, %dma_start3A_693] : memref<5x40x512xf32, #tpu.memory_space<vmem>> -> memref<1x40x512xf32, #tpu.memory_space<vmem>>
      %dma_start3A_695 = tpu.memref_squeeze %dma_start3A_694 : memref<1x40x512xf32, #tpu.memory_space<vmem>> -> memref<40x512xf32, #tpu.memory_space<vmem>>
      %dma_start3A_696 = arith.constant 0 : i32
      %dma_start3A_697 = tpu.memref_slice %arg4[%add3A, %mul3A_690, %dma_start3A_696] : memref<32x6400x512xf32, #tpu.memory_space<hbm>> -> memref<1x40x512xf32, #tpu.memory_space<hbm>>
      %dma_start3A_698 = tpu.memref_squeeze %dma_start3A_697 : memref<1x40x512xf32, #tpu.memory_space<hbm>> -> memref<40x512xf32, #tpu.memory_space<hbm>>
      %dma_start3A_699 = arith.constant 0 : i32
      %dma_start3A_700 = tpu.memref_slice %arg4[%add3A, %mul3A_690, %dma_start3A_699] : memref<32x6400x512xf32, #tpu.memory_space<hbm>> -> memref<1x40x512xf32, #tpu.memory_space<hbm>>
      %dma_start3A_701 = tpu.memref_squeeze %dma_start3A_700 : memref<1x40x512xf32, #tpu.memory_space<hbm>> -> memref<40x512xf32, #tpu.memory_space<hbm>>
      %dma_start3A_702 = arith.constant 0 : i32
      %dma_start3A_703 = arith.constant 0 : i32
      %dma_start3A_704 = tpu.memref_slice %arg6[%dma_start3A_691, %dma_start3A_702, %dma_start3A_703] : memref<5x40x512xf32, #tpu.memory_space<vmem>> -> memref<1x40x512xf32, #tpu.memory_space<vmem>>
      %dma_start3A_705 = tpu.memref_squeeze %dma_start3A_704 : memref<1x40x512xf32, #tpu.memory_space<vmem>> -> memref<40x512xf32, #tpu.memory_space<vmem>>
      tpu.enqueue_dma source(%dma_start3A_705 : memref<40x512xf32, #tpu.memory_space<vmem>>) target(%dma_start3A_701 : memref<40x512xf32, #tpu.memory_space<hbm>>) target_semaphore(%arg12 : memref<!tpu.dma_semaphore, #tpu.memory_space<semaphore_mem>>)
      %add3A_706 = arith.constant 1 : i32
      %add3A_707 = arith.addi %mul3A_636, %add3A_706 : i32
      %add3A_708 = arith.constant 2 : i32
      %add3A_709 = arith.addi %add3A_707, %add3A_708 : i32
      %sub3A_710 = arith.constant 5 : i32
      %sub3A_711 = arith.subi %add3A_709, %sub3A_710 : i32
      %mul3A_712 = arith.constant 40 : i32
      %mul3A_713 = arith.muli %sub3A_711, %mul3A_712 : i32
      %dma_wait3A_714 = arith.constant 3 : i32
      %dma_wait3A_715 = arith.constant 0 : i32
      %dma_wait3A_716 = arith.constant 0 : i32
      %dma_wait3A_717 = tpu.memref_slice %arg6[%dma_wait3A_714, %dma_wait3A_715, %dma_wait3A_716] : memref<5x40x512xf32, #tpu.memory_space<vmem>> -> memref<1x40x512xf32, #tpu.memory_space<vmem>>
      %dma_wait3A_718 = tpu.memref_squeeze %dma_wait3A_717 : memref<1x40x512xf32, #tpu.memory_space<vmem>> -> memref<40x512xf32, #tpu.memory_space<vmem>>
      %dma_wait3A_719 = arith.constant 0 : i32
      %dma_wait3A_720 = tpu.memref_slice %arg4[%add3A, %mul3A_713, %dma_wait3A_719] : memref<32x6400x512xf32, #tpu.memory_space<hbm>> -> memref<1x40x512xf32, #tpu.memory_space<hbm>>
      %dma_wait3A_721 = tpu.memref_squeeze %dma_wait3A_720 : memref<1x40x512xf32, #tpu.memory_space<hbm>> -> memref<40x512xf32, #tpu.memory_space<hbm>>
      %dma_wait3A_722 = arith.constant 0 : i32
      %dma_wait3A_723 = tpu.memref_slice %arg4[%add3A, %mul3A_713, %dma_wait3A_722] : memref<32x6400x512xf32, #tpu.memory_space<hbm>> -> memref<1x40x512xf32, #tpu.memory_space<hbm>>
      %dma_wait3A_724 = tpu.memref_squeeze %dma_wait3A_723 : memref<1x40x512xf32, #tpu.memory_space<hbm>> -> memref<40x512xf32, #tpu.memory_space<hbm>>
      %dma_wait3A_725 = arith.constant 0 : i32
      %dma_wait3A_726 = arith.constant 0 : i32
      %dma_wait3A_727 = tpu.memref_slice %arg6[%dma_wait3A_714, %dma_wait3A_725, %dma_wait3A_726] : memref<5x40x512xf32, #tpu.memory_space<vmem>> -> memref<1x40x512xf32, #tpu.memory_space<vmem>>
      %dma_wait3A_728 = tpu.memref_squeeze %dma_wait3A_727 : memref<1x40x512xf32, #tpu.memory_space<vmem>> -> memref<40x512xf32, #tpu.memory_space<vmem>>
      tpu.wait_dma2 semaphore(%arg15 : memref<!tpu.dma_semaphore, #tpu.memory_space<semaphore_mem>>) src(%dma_wait3A_728 : memref<40x512xf32, #tpu.memory_space<vmem>>) dst(%dma_wait3A_724 : memref<40x512xf32, #tpu.memory_space<hbm>>)
      %add3A_729 = arith.constant 2 : i32
      %add3A_730 = arith.addi %add3A_707, %add3A_729 : i32
      %dma_start3A_731 = arith.constant 3 : i32
      %dma_start3A_732 = arith.constant 0 : i32
      %dma_start3A_733 = arith.constant 0 : i32
      %dma_start3A_734 = tpu.memref_slice %arg6[%dma_start3A_731, %dma_start3A_732, %dma_start3A_733] : memref<5x40x512xf32, #tpu.memory_space<vmem>> -> memref<1x40x512xf32, #tpu.memory_space<vmem>>
      %dma_start3A_735 = tpu.memref_squeeze %dma_start3A_734 : memref<1x40x512xf32, #tpu.memory_space<vmem>> -> memref<40x512xf32, #tpu.memory_space<vmem>>
      %dma_start3A_736 = arith.constant 0 : i32
      %dma_start3A_737 = tpu.memref_slice %arg5[%add3A_730, %dma_start3A_736] : memref<160x40xi32, #tpu.memory_space<vmem>> -> memref<1x40xi32, #tpu.memory_space<vmem>>
      %dma_start3A_738 = tpu.memref_squeeze %dma_start3A_737 : memref<1x40xi32, #tpu.memory_space<vmem>> -> memref<40xi32, #tpu.memory_space<vmem>>
      %dma_start3A_739 = arith.constant 0 : i32
      %dma_start3A_740 = arith.constant 0 : i32
      %dma_start3A_741 = tpu.memref_slice %arg2[%dma_start3A_739, %dma_start3A_740] : memref<100001x512xf32, #tpu.memory_space<hbm>> -> memref<100001x512xf32, #tpu.memory_space<hbm>>
      tpu.enqueue_indirect_dma source(%dma_start3A_741 : memref<100001x512xf32, #tpu.memory_space<hbm>>) target(%dma_start3A_735 : memref<40x512xf32, #tpu.memory_space<vmem>>) offsets(%dma_start3A_738 : memref<40xi32, #tpu.memory_space<vmem>>) semaphore(%arg10 : memref<!tpu.dma_semaphore, #tpu.memory_space<semaphore_mem>>)
      %dma_wait3A_742 = arith.constant 1 : i32
      %dma_wait3A_743 = arith.constant 0 : i32
      %dma_wait3A_744 = arith.constant 0 : i32
      %dma_wait3A_745 = tpu.memref_slice %arg6[%dma_wait3A_742, %dma_wait3A_743, %dma_wait3A_744] : memref<5x40x512xf32, #tpu.memory_space<vmem>> -> memref<1x40x512xf32, #tpu.memory_space<vmem>>
      %dma_wait3A_746 = tpu.memref_squeeze %dma_wait3A_745 : memref<1x40x512xf32, #tpu.memory_space<vmem>> -> memref<40x512xf32, #tpu.memory_space<vmem>>
      %dma_wait3A_747 = arith.constant 0 : i32
      %dma_wait3A_748 = arith.constant 0 : i32
      %dma_wait3A_749 = tpu.memref_slice %arg4[%add3A, %dma_wait3A_747, %dma_wait3A_748] : memref<32x6400x512xf32, #tpu.memory_space<hbm>> -> memref<1x40x512xf32, #tpu.memory_space<hbm>>
      %dma_wait3A_750 = tpu.memref_squeeze %dma_wait3A_749 : memref<1x40x512xf32, #tpu.memory_space<hbm>> -> memref<40x512xf32, #tpu.memory_space<hbm>>
      %dma_wait3A_751 = arith.constant 0 : i32
      %dma_wait3A_752 = arith.constant 0 : i32
      %dma_wait3A_753 = tpu.memref_slice %arg6[%dma_wait3A_742, %dma_wait3A_751, %dma_wait3A_752] : memref<5x40x512xf32, #tpu.memory_space<vmem>> -> memref<1x40x512xf32, #tpu.memory_space<vmem>>
      %dma_wait3A_754 = tpu.memref_squeeze %dma_wait3A_753 : memref<1x40x512xf32, #tpu.memory_space<vmem>> -> memref<40x512xf32, #tpu.memory_space<vmem>>
      %dma_wait3A_755 = arith.constant 0 : i32
      %dma_wait3A_756 = arith.constant 0 : i32
      %dma_wait3A_757 = tpu.memref_slice %arg4[%add3A, %dma_wait3A_755, %dma_wait3A_756] : memref<32x6400x512xf32, #tpu.memory_space<hbm>> -> memref<1x40x512xf32, #tpu.memory_space<hbm>>
      %dma_wait3A_758 = tpu.memref_squeeze %dma_wait3A_757 : memref<1x40x512xf32, #tpu.memory_space<hbm>> -> memref<40x512xf32, #tpu.memory_space<hbm>>
      tpu.wait_dma2 semaphore(%arg8 : memref<!tpu.dma_semaphore, #tpu.memory_space<semaphore_mem>>) src(%dma_wait3A_758 : memref<40x512xf32, #tpu.memory_space<hbm>>) dst(%dma_wait3A_754 : memref<40x512xf32, #tpu.memory_space<vmem>>)
      %mul3A_759 = arith.constant 40 : i32
      %mul3A_760 = arith.muli %add3A_707, %mul3A_759 : i32
      %dma_start3A_761 = arith.constant 1 : i32
      %dma_start3A_762 = arith.constant 0 : i32
      %dma_start3A_763 = arith.constant 0 : i32
      %dma_start3A_764 = tpu.memref_slice %arg6[%dma_start3A_761, %dma_start3A_762, %dma_start3A_763] : memref<5x40x512xf32, #tpu.memory_space<vmem>> -> memref<1x40x512xf32, #tpu.memory_space<vmem>>
      %dma_start3A_765 = tpu.memref_squeeze %dma_start3A_764 : memref<1x40x512xf32, #tpu.memory_space<vmem>> -> memref<40x512xf32, #tpu.memory_space<vmem>>
      %dma_start3A_766 = arith.constant 0 : i32
      %dma_start3A_767 = tpu.memref_slice %arg4[%add3A, %mul3A_760, %dma_start3A_766] : memref<32x6400x512xf32, #tpu.memory_space<hbm>> -> memref<1x40x512xf32, #tpu.memory_space<hbm>>
      %dma_start3A_768 = tpu.memref_squeeze %dma_start3A_767 : memref<1x40x512xf32, #tpu.memory_space<hbm>> -> memref<40x512xf32, #tpu.memory_space<hbm>>
      %dma_start3A_769 = arith.constant 0 : i32
      %dma_start3A_770 = tpu.memref_slice %arg4[%add3A, %mul3A_760, %dma_start3A_769] : memref<32x6400x512xf32, #tpu.memory_space<hbm>> -> memref<1x40x512xf32, #tpu.memory_space<hbm>>
      %dma_start3A_771 = tpu.memref_squeeze %dma_start3A_770 : memref<1x40x512xf32, #tpu.memory_space<hbm>> -> memref<40x512xf32, #tpu.memory_space<hbm>>
      %dma_start3A_772 = arith.constant 0 : i32
      %dma_start3A_773 = arith.constant 0 : i32
      %dma_start3A_774 = tpu.memref_slice %arg6[%dma_start3A_761, %dma_start3A_772, %dma_start3A_773] : memref<5x40x512xf32, #tpu.memory_space<vmem>> -> memref<1x40x512xf32, #tpu.memory_space<vmem>>
      %dma_start3A_775 = tpu.memref_squeeze %dma_start3A_774 : memref<1x40x512xf32, #tpu.memory_space<vmem>> -> memref<40x512xf32, #tpu.memory_space<vmem>>
      tpu.enqueue_dma source(%dma_start3A_775 : memref<40x512xf32, #tpu.memory_space<vmem>>) target(%dma_start3A_771 : memref<40x512xf32, #tpu.memory_space<hbm>>) target_semaphore(%arg13 : memref<!tpu.dma_semaphore, #tpu.memory_space<semaphore_mem>>)
      %add3A_776 = arith.constant 2 : i32
      %add3A_777 = arith.addi %mul3A_636, %add3A_776 : i32
      %add3A_778 = arith.constant 2 : i32
      %add3A_779 = arith.addi %add3A_777, %add3A_778 : i32
      %sub3A_780 = arith.constant 5 : i32
      %sub3A_781 = arith.subi %add3A_779, %sub3A_780 : i32
      %mul3A_782 = arith.constant 40 : i32
      %mul3A_783 = arith.muli %sub3A_781, %mul3A_782 : i32
      %dma_wait3A_784 = arith.constant 4 : i32
      %dma_wait3A_785 = arith.constant 0 : i32
      %dma_wait3A_786 = arith.constant 0 : i32
      %dma_wait3A_787 = tpu.memref_slice %arg6[%dma_wait3A_784, %dma_wait3A_785, %dma_wait3A_786] : memref<5x40x512xf32, #tpu.memory_space<vmem>> -> memref<1x40x512xf32, #tpu.memory_space<vmem>>
      %dma_wait3A_788 = tpu.memref_squeeze %dma_wait3A_787 : memref<1x40x512xf32, #tpu.memory_space<vmem>> -> memref<40x512xf32, #tpu.memory_space<vmem>>
      %dma_wait3A_789 = arith.constant 0 : i32
      %dma_wait3A_790 = tpu.memref_slice %arg4[%add3A, %mul3A_783, %dma_wait3A_789] : memref<32x6400x512xf32, #tpu.memory_space<hbm>> -> memref<1x40x512xf32, #tpu.memory_space<hbm>>
      %dma_wait3A_791 = tpu.memref_squeeze %dma_wait3A_790 : memref<1x40x512xf32, #tpu.memory_space<hbm>> -> memref<40x512xf32, #tpu.memory_space<hbm>>
      %dma_wait3A_792 = arith.constant 0 : i32
      %dma_wait3A_793 = tpu.memref_slice %arg4[%add3A, %mul3A_783, %dma_wait3A_792] : memref<32x6400x512xf32, #tpu.memory_space<hbm>> -> memref<1x40x512xf32, #tpu.memory_space<hbm>>
      %dma_wait3A_794 = tpu.memref_squeeze %dma_wait3A_793 : memref<1x40x512xf32, #tpu.memory_space<hbm>> -> memref<40x512xf32, #tpu.memory_space<hbm>>
      %dma_wait3A_795 = arith.constant 0 : i32
      %dma_wait3A_796 = arith.constant 0 : i32
      %dma_wait3A_797 = tpu.memref_slice %arg6[%dma_wait3A_784, %dma_wait3A_795, %dma_wait3A_796] : memref<5x40x512xf32, #tpu.memory_space<vmem>> -> memref<1x40x512xf32, #tpu.memory_space<vmem>>
      %dma_wait3A_798 = tpu.memref_squeeze %dma_wait3A_797 : memref<1x40x512xf32, #tpu.memory_space<vmem>> -> memref<40x512xf32, #tpu.memory_space<vmem>>
      tpu.wait_dma2 semaphore(%arg16 : memref<!tpu.dma_semaphore, #tpu.memory_space<semaphore_mem>>) src(%dma_wait3A_798 : memref<40x512xf32, #tpu.memory_space<vmem>>) dst(%dma_wait3A_794 : memref<40x512xf32, #tpu.memory_space<hbm>>)
      %add3A_799 = arith.constant 2 : i32
      %add3A_800 = arith.addi %add3A_777, %add3A_799 : i32
      %dma_start3A_801 = arith.constant 4 : i32
      %dma_start3A_802 = arith.constant 0 : i32
      %dma_start3A_803 = arith.constant 0 : i32
      %dma_start3A_804 = tpu.memref_slice %arg6[%dma_start3A_801, %dma_start3A_802, %dma_start3A_803] : memref<5x40x512xf32, #tpu.memory_space<vmem>> -> memref<1x40x512xf32, #tpu.memory_space<vmem>>
      %dma_start3A_805 = tpu.memref_squeeze %dma_start3A_804 : memref<1x40x512xf32, #tpu.memory_space<vmem>> -> memref<40x512xf32, #tpu.memory_space<vmem>>
      %dma_start3A_806 = arith.constant 0 : i32
      %dma_start3A_807 = tpu.memref_slice %arg5[%add3A_800, %dma_start3A_806] : memref<160x40xi32, #tpu.memory_space<vmem>> -> memref<1x40xi32, #tpu.memory_space<vmem>>
      %dma_start3A_808 = tpu.memref_squeeze %dma_start3A_807 : memref<1x40xi32, #tpu.memory_space<vmem>> -> memref<40xi32, #tpu.memory_space<vmem>>
      %dma_start3A_809 = arith.constant 0 : i32
      %dma_start3A_810 = arith.constant 0 : i32
      %dma_start3A_811 = tpu.memref_slice %arg2[%dma_start3A_809, %dma_start3A_810] : memref<100001x512xf32, #tpu.memory_space<hbm>> -> memref<100001x512xf32, #tpu.memory_space<hbm>>
      tpu.enqueue_indirect_dma source(%dma_start3A_811 : memref<100001x512xf32, #tpu.memory_space<hbm>>) target(%dma_start3A_805 : memref<40x512xf32, #tpu.memory_space<vmem>>) offsets(%dma_start3A_808 : memref<40xi32, #tpu.memory_space<vmem>>) semaphore(%arg11 : memref<!tpu.dma_semaphore, #tpu.memory_space<semaphore_mem>>)
      %dma_wait3A_812 = arith.constant 2 : i32
      %dma_wait3A_813 = arith.constant 0 : i32
      %dma_wait3A_814 = arith.constant 0 : i32
      %dma_wait3A_815 = tpu.memref_slice %arg6[%dma_wait3A_812, %dma_wait3A_813, %dma_wait3A_814] : memref<5x40x512xf32, #tpu.memory_space<vmem>> -> memref<1x40x512xf32, #tpu.memory_space<vmem>>
      %dma_wait3A_816 = tpu.memref_squeeze %dma_wait3A_815 : memref<1x40x512xf32, #tpu.memory_space<vmem>> -> memref<40x512xf32, #tpu.memory_space<vmem>>
      %dma_wait3A_817 = arith.constant 0 : i32
      %dma_wait3A_818 = arith.constant 0 : i32
      %dma_wait3A_819 = tpu.memref_slice %arg4[%add3A, %dma_wait3A_817, %dma_wait3A_818] : memref<32x6400x512xf32, #tpu.memory_space<hbm>> -> memref<1x40x512xf32, #tpu.memory_space<hbm>>
      %dma_wait3A_820 = tpu.memref_squeeze %dma_wait3A_819 : memref<1x40x512xf32, #tpu.memory_space<hbm>> -> memref<40x512xf32, #tpu.memory_space<hbm>>
      %dma_wait3A_821 = arith.constant 0 : i32
      %dma_wait3A_822 = arith.constant 0 : i32
      %dma_wait3A_823 = tpu.memref_slice %arg6[%dma_wait3A_812, %dma_wait3A_821, %dma_wait3A_822] : memref<5x40x512xf32, #tpu.memory_space<vmem>> -> memref<1x40x512xf32, #tpu.memory_space<vmem>>
      %dma_wait3A_824 = tpu.memref_squeeze %dma_wait3A_823 : memref<1x40x512xf32, #tpu.memory_space<vmem>> -> memref<40x512xf32, #tpu.memory_space<vmem>>
      %dma_wait3A_825 = arith.constant 0 : i32
      %dma_wait3A_826 = arith.constant 0 : i32
      %dma_wait3A_827 = tpu.memref_slice %arg4[%add3A, %dma_wait3A_825, %dma_wait3A_826] : memref<32x6400x512xf32, #tpu.memory_space<hbm>> -> memref<1x40x512xf32, #tpu.memory_space<hbm>>
      %dma_wait3A_828 = tpu.memref_squeeze %dma_wait3A_827 : memref<1x40x512xf32, #tpu.memory_space<hbm>> -> memref<40x512xf32, #tpu.memory_space<hbm>>
      tpu.wait_dma2 semaphore(%arg9 : memref<!tpu.dma_semaphore, #tpu.memory_space<semaphore_mem>>) src(%dma_wait3A_828 : memref<40x512xf32, #tpu.memory_space<hbm>>) dst(%dma_wait3A_824 : memref<40x512xf32, #tpu.memory_space<vmem>>)
      %mul3A_829 = arith.constant 40 : i32
      %mul3A_830 = arith.muli %add3A_777, %mul3A_829 : i32
      %dma_start3A_831 = arith.constant 2 : i32
      %dma_start3A_832 = arith.constant 0 : i32
      %dma_start3A_833 = arith.constant 0 : i32
      %dma_start3A_834 = tpu.memref_slice %arg6[%dma_start3A_831, %dma_start3A_832, %dma_start3A_833] : memref<5x40x512xf32, #tpu.memory_space<vmem>> -> memref<1x40x512xf32, #tpu.memory_space<vmem>>
      %dma_start3A_835 = tpu.memref_squeeze %dma_start3A_834 : memref<1x40x512xf32, #tpu.memory_space<vmem>> -> memref<40x512xf32, #tpu.memory_space<vmem>>
      %dma_start3A_836 = arith.constant 0 : i32
      %dma_start3A_837 = tpu.memref_slice %arg4[%add3A, %mul3A_830, %dma_start3A_836] : memref<32x6400x512xf32, #tpu.memory_space<hbm>> -> memref<1x40x512xf32, #tpu.memory_space<hbm>>
      %dma_start3A_838 = tpu.memref_squeeze %dma_start3A_837 : memref<1x40x512xf32, #tpu.memory_space<hbm>> -> memref<40x512xf32, #tpu.memory_space<hbm>>
      %dma_start3A_839 = arith.constant 0 : i32
      %dma_start3A_840 = tpu.memref_slice %arg4[%add3A, %mul3A_830, %dma_start3A_839] : memref<32x6400x512xf32, #tpu.memory_space<hbm>> -> memref<1x40x512xf32, #tpu.memory_space<hbm>>
      %dma_start3A_841 = tpu.memref_squeeze %dma_start3A_840 : memref<1x40x512xf32, #tpu.memory_space<hbm>> -> memref<40x512xf32, #tpu.memory_space<hbm>>
      %dma_start3A_842 = arith.constant 0 : i32
      %dma_start3A_843 = arith.constant 0 : i32
      %dma_start3A_844 = tpu.memref_slice %arg6[%dma_start3A_831, %dma_start3A_842, %dma_start3A_843] : memref<5x40x512xf32, #tpu.memory_space<vmem>> -> memref<1x40x512xf32, #tpu.memory_space<vmem>>
      %dma_start3A_845 = tpu.memref_squeeze %dma_start3A_844 : memref<1x40x512xf32, #tpu.memory_space<vmem>> -> memref<40x512xf32, #tpu.memory_space<vmem>>
      tpu.enqueue_dma source(%dma_start3A_845 : memref<40x512xf32, #tpu.memory_space<vmem>>) target(%dma_start3A_841 : memref<40x512xf32, #tpu.memory_space<hbm>>) target_semaphore(%arg14 : memref<!tpu.dma_semaphore, #tpu.memory_space<semaphore_mem>>)
      %add3A_846 = arith.constant 3 : i32
      %add3A_847 = arith.addi %mul3A_636, %add3A_846 : i32
      %add3A_848 = arith.constant 2 : i32
      %add3A_849 = arith.addi %add3A_847, %add3A_848 : i32
      %sub3A_850 = arith.constant 5 : i32
      %sub3A_851 = arith.subi %add3A_849, %sub3A_850 : i32
      %mul3A_852 = arith.constant 40 : i32
      %mul3A_853 = arith.muli %sub3A_851, %mul3A_852 : i32
      %dma_wait3A_854 = arith.constant 0 : i32
      %dma_wait3A_855 = arith.constant 0 : i32
      %dma_wait3A_856 = arith.constant 0 : i32
      %dma_wait3A_857 = tpu.memref_slice %arg6[%dma_wait3A_854, %dma_wait3A_855, %dma_wait3A_856] : memref<5x40x512xf32, #tpu.memory_space<vmem>> -> memref<1x40x512xf32, #tpu.memory_space<vmem>>
      %dma_wait3A_858 = tpu.memref_squeeze %dma_wait3A_857 : memref<1x40x512xf32, #tpu.memory_space<vmem>> -> memref<40x512xf32, #tpu.memory_space<vmem>>
      %dma_wait3A_859 = arith.constant 0 : i32
      %dma_wait3A_860 = tpu.memref_slice %arg4[%add3A, %mul3A_853, %dma_wait3A_859] : memref<32x6400x512xf32, #tpu.memory_space<hbm>> -> memref<1x40x512xf32, #tpu.memory_space<hbm>>
      %dma_wait3A_861 = tpu.memref_squeeze %dma_wait3A_860 : memref<1x40x512xf32, #tpu.memory_space<hbm>> -> memref<40x512xf32, #tpu.memory_space<hbm>>
      %dma_wait3A_862 = arith.constant 0 : i32
      %dma_wait3A_863 = tpu.memref_slice %arg4[%add3A, %mul3A_853, %dma_wait3A_862] : memref<32x6400x512xf32, #tpu.memory_space<hbm>> -> memref<1x40x512xf32, #tpu.memory_space<hbm>>
      %dma_wait3A_864 = tpu.memref_squeeze %dma_wait3A_863 : memref<1x40x512xf32, #tpu.memory_space<hbm>> -> memref<40x512xf32, #tpu.memory_space<hbm>>
      %dma_wait3A_865 = arith.constant 0 : i32
      %dma_wait3A_866 = arith.constant 0 : i32
      %dma_wait3A_867 = tpu.memref_slice %arg6[%dma_wait3A_854, %dma_wait3A_865, %dma_wait3A_866] : memref<5x40x512xf32, #tpu.memory_space<vmem>> -> memref<1x40x512xf32, #tpu.memory_space<vmem>>
      %dma_wait3A_868 = tpu.memref_squeeze %dma_wait3A_867 : memref<1x40x512xf32, #tpu.memory_space<vmem>> -> memref<40x512xf32, #tpu.memory_space<vmem>>
      tpu.wait_dma2 semaphore(%arg12 : memref<!tpu.dma_semaphore, #tpu.memory_space<semaphore_mem>>) src(%dma_wait3A_868 : memref<40x512xf32, #tpu.memory_space<vmem>>) dst(%dma_wait3A_864 : memref<40x512xf32, #tpu.memory_space<hbm>>)
      %add3A_869 = arith.constant 2 : i32
      %add3A_870 = arith.addi %add3A_847, %add3A_869 : i32
      %dma_start3A_871 = arith.constant 0 : i32
      %dma_start3A_872 = arith.constant 0 : i32
      %dma_start3A_873 = arith.constant 0 : i32
      %dma_start3A_874 = tpu.memref_slice %arg6[%dma_start3A_871, %dma_start3A_872, %dma_start3A_873] : memref<5x40x512xf32, #tpu.memory_space<vmem>> -> memref<1x40x512xf32, #tpu.memory_space<vmem>>
      %dma_start3A_875 = tpu.memref_squeeze %dma_start3A_874 : memref<1x40x512xf32, #tpu.memory_space<vmem>> -> memref<40x512xf32, #tpu.memory_space<vmem>>
      %dma_start3A_876 = arith.constant 0 : i32
      %dma_start3A_877 = tpu.memref_slice %arg5[%add3A_870, %dma_start3A_876] : memref<160x40xi32, #tpu.memory_space<vmem>> -> memref<1x40xi32, #tpu.memory_space<vmem>>
      %dma_start3A_878 = tpu.memref_squeeze %dma_start3A_877 : memref<1x40xi32, #tpu.memory_space<vmem>> -> memref<40xi32, #tpu.memory_space<vmem>>
      %dma_start3A_879 = arith.constant 0 : i32
      %dma_start3A_880 = arith.constant 0 : i32
      %dma_start3A_881 = tpu.memref_slice %arg2[%dma_start3A_879, %dma_start3A_880] : memref<100001x512xf32, #tpu.memory_space<hbm>> -> memref<100001x512xf32, #tpu.memory_space<hbm>>
      tpu.enqueue_indirect_dma source(%dma_start3A_881 : memref<100001x512xf32, #tpu.memory_space<hbm>>) target(%dma_start3A_875 : memref<40x512xf32, #tpu.memory_space<vmem>>) offsets(%dma_start3A_878 : memref<40xi32, #tpu.memory_space<vmem>>) semaphore(%arg7 : memref<!tpu.dma_semaphore, #tpu.memory_space<semaphore_mem>>)
      %dma_wait3A_882 = arith.constant 3 : i32
      %dma_wait3A_883 = arith.constant 0 : i32
      %dma_wait3A_884 = arith.constant 0 : i32
      %dma_wait3A_885 = tpu.memref_slice %arg6[%dma_wait3A_882, %dma_wait3A_883, %dma_wait3A_884] : memref<5x40x512xf32, #tpu.memory_space<vmem>> -> memref<1x40x512xf32, #tpu.memory_space<vmem>>
      %dma_wait3A_886 = tpu.memref_squeeze %dma_wait3A_885 : memref<1x40x512xf32, #tpu.memory_space<vmem>> -> memref<40x512xf32, #tpu.memory_space<vmem>>
      %dma_wait3A_887 = arith.constant 0 : i32
      %dma_wait3A_888 = arith.constant 0 : i32
      %dma_wait3A_889 = tpu.memref_slice %arg4[%add3A, %dma_wait3A_887, %dma_wait3A_888] : memref<32x6400x512xf32, #tpu.memory_space<hbm>> -> memref<1x40x512xf32, #tpu.memory_space<hbm>>
      %dma_wait3A_890 = tpu.memref_squeeze %dma_wait3A_889 : memref<1x40x512xf32, #tpu.memory_space<hbm>> -> memref<40x512xf32, #tpu.memory_space<hbm>>
      %dma_wait3A_891 = arith.constant 0 : i32
      %dma_wait3A_892 = arith.constant 0 : i32
      %dma_wait3A_893 = tpu.memref_slice %arg6[%dma_wait3A_882, %dma_wait3A_891, %dma_wait3A_892] : memref<5x40x512xf32, #tpu.memory_space<vmem>> -> memref<1x40x512xf32, #tpu.memory_space<vmem>>
      %dma_wait3A_894 = tpu.memref_squeeze %dma_wait3A_893 : memref<1x40x512xf32, #tpu.memory_space<vmem>> -> memref<40x512xf32, #tpu.memory_space<vmem>>
      %dma_wait3A_895 = arith.constant 0 : i32
      %dma_wait3A_896 = arith.constant 0 : i32
      %dma_wait3A_897 = tpu.memref_slice %arg4[%add3A, %dma_wait3A_895, %dma_wait3A_896] : memref<32x6400x512xf32, #tpu.memory_space<hbm>> -> memref<1x40x512xf32, #tpu.memory_space<hbm>>
      %dma_wait3A_898 = tpu.memref_squeeze %dma_wait3A_897 : memref<1x40x512xf32, #tpu.memory_space<hbm>> -> memref<40x512xf32, #tpu.memory_space<hbm>>
      tpu.wait_dma2 semaphore(%arg10 : memref<!tpu.dma_semaphore, #tpu.memory_space<semaphore_mem>>) src(%dma_wait3A_898 : memref<40x512xf32, #tpu.memory_space<hbm>>) dst(%dma_wait3A_894 : memref<40x512xf32, #tpu.memory_space<vmem>>)
      %mul3A_899 = arith.constant 40 : i32
      %mul3A_900 = arith.muli %add3A_847, %mul3A_899 : i32
      %dma_start3A_901 = arith.constant 3 : i32
      %dma_start3A_902 = arith.constant 0 : i32
      %dma_start3A_903 = arith.constant 0 : i32
      %dma_start3A_904 = tpu.memref_slice %arg6[%dma_start3A_901, %dma_start3A_902, %dma_start3A_903] : memref<5x40x512xf32, #tpu.memory_space<vmem>> -> memref<1x40x512xf32, #tpu.memory_space<vmem>>
      %dma_start3A_905 = tpu.memref_squeeze %dma_start3A_904 : memref<1x40x512xf32, #tpu.memory_space<vmem>> -> memref<40x512xf32, #tpu.memory_space<vmem>>
      %dma_start3A_906 = arith.constant 0 : i32
      %dma_start3A_907 = tpu.memref_slice %arg4[%add3A, %mul3A_900, %dma_start3A_906] : memref<32x6400x512xf32, #tpu.memory_space<hbm>> -> memref<1x40x512xf32, #tpu.memory_space<hbm>>
      %dma_start3A_908 = tpu.memref_squeeze %dma_start3A_907 : memref<1x40x512xf32, #tpu.memory_space<hbm>> -> memref<40x512xf32, #tpu.memory_space<hbm>>
      %dma_start3A_909 = arith.constant 0 : i32
      %dma_start3A_910 = tpu.memref_slice %arg4[%add3A, %mul3A_900, %dma_start3A_909] : memref<32x6400x512xf32, #tpu.memory_space<hbm>> -> memref<1x40x512xf32, #tpu.memory_space<hbm>>
      %dma_start3A_911 = tpu.memref_squeeze %dma_start3A_910 : memref<1x40x512xf32, #tpu.memory_space<hbm>> -> memref<40x512xf32, #tpu.memory_space<hbm>>
      %dma_start3A_912 = arith.constant 0 : i32
      %dma_start3A_913 = arith.constant 0 : i32
      %dma_start3A_914 = tpu.memref_slice %arg6[%dma_start3A_901, %dma_start3A_912, %dma_start3A_913] : memref<5x40x512xf32, #tpu.memory_space<vmem>> -> memref<1x40x512xf32, #tpu.memory_space<vmem>>
      %dma_start3A_915 = tpu.memref_squeeze %dma_start3A_914 : memref<1x40x512xf32, #tpu.memory_space<vmem>> -> memref<40x512xf32, #tpu.memory_space<vmem>>
      tpu.enqueue_dma source(%dma_start3A_915 : memref<40x512xf32, #tpu.memory_space<vmem>>) target(%dma_start3A_911 : memref<40x512xf32, #tpu.memory_space<hbm>>) target_semaphore(%arg15 : memref<!tpu.dma_semaphore, #tpu.memory_space<semaphore_mem>>)
      %add3A_916 = arith.constant 4 : i32
      %add3A_917 = arith.addi %mul3A_636, %add3A_916 : i32
      %add3A_918 = arith.constant 2 : i32
      %add3A_919 = arith.addi %add3A_917, %add3A_918 : i32
      %sub3A_920 = arith.constant 5 : i32
      %sub3A_921 = arith.subi %add3A_919, %sub3A_920 : i32
      %mul3A_922 = arith.constant 40 : i32
      %mul3A_923 = arith.muli %sub3A_921, %mul3A_922 : i32
      %dma_wait3A_924 = arith.constant 1 : i32
      %dma_wait3A_925 = arith.constant 0 : i32
      %dma_wait3A_926 = arith.constant 0 : i32
      %dma_wait3A_927 = tpu.memref_slice %arg6[%dma_wait3A_924, %dma_wait3A_925, %dma_wait3A_926] : memref<5x40x512xf32, #tpu.memory_space<vmem>> -> memref<1x40x512xf32, #tpu.memory_space<vmem>>
      %dma_wait3A_928 = tpu.memref_squeeze %dma_wait3A_927 : memref<1x40x512xf32, #tpu.memory_space<vmem>> -> memref<40x512xf32, #tpu.memory_space<vmem>>
      %dma_wait3A_929 = arith.constant 0 : i32
      %dma_wait3A_930 = tpu.memref_slice %arg4[%add3A, %mul3A_923, %dma_wait3A_929] : memref<32x6400x512xf32, #tpu.memory_space<hbm>> -> memref<1x40x512xf32, #tpu.memory_space<hbm>>
      %dma_wait3A_931 = tpu.memref_squeeze %dma_wait3A_930 : memref<1x40x512xf32, #tpu.memory_space<hbm>> -> memref<40x512xf32, #tpu.memory_space<hbm>>
      %dma_wait3A_932 = arith.constant 0 : i32
      %dma_wait3A_933 = tpu.memref_slice %arg4[%add3A, %mul3A_923, %dma_wait3A_932] : memref<32x6400x512xf32, #tpu.memory_space<hbm>> -> memref<1x40x512xf32, #tpu.memory_space<hbm>>
      %dma_wait3A_934 = tpu.memref_squeeze %dma_wait3A_933 : memref<1x40x512xf32, #tpu.memory_space<hbm>> -> memref<40x512xf32, #tpu.memory_space<hbm>>
      %dma_wait3A_935 = arith.constant 0 : i32
      %dma_wait3A_936 = arith.constant 0 : i32
      %dma_wait3A_937 = tpu.memref_slice %arg6[%dma_wait3A_924, %dma_wait3A_935, %dma_wait3A_936] : memref<5x40x512xf32, #tpu.memory_space<vmem>> -> memref<1x40x512xf32, #tpu.memory_space<vmem>>
      %dma_wait3A_938 = tpu.memref_squeeze %dma_wait3A_937 : memref<1x40x512xf32, #tpu.memory_space<vmem>> -> memref<40x512xf32, #tpu.memory_space<vmem>>
      tpu.wait_dma2 semaphore(%arg13 : memref<!tpu.dma_semaphore, #tpu.memory_space<semaphore_mem>>) src(%dma_wait3A_938 : memref<40x512xf32, #tpu.memory_space<vmem>>) dst(%dma_wait3A_934 : memref<40x512xf32, #tpu.memory_space<hbm>>)
      %add3A_939 = arith.constant 2 : i32
      %add3A_940 = arith.addi %add3A_917, %add3A_939 : i32
      %dma_start3A_941 = arith.constant 1 : i32
      %dma_start3A_942 = arith.constant 0 : i32
      %dma_start3A_943 = arith.constant 0 : i32
      %dma_start3A_944 = tpu.memref_slice %arg6[%dma_start3A_941, %dma_start3A_942, %dma_start3A_943] : memref<5x40x512xf32, #tpu.memory_space<vmem>> -> memref<1x40x512xf32, #tpu.memory_space<vmem>>
      %dma_start3A_945 = tpu.memref_squeeze %dma_start3A_944 : memref<1x40x512xf32, #tpu.memory_space<vmem>> -> memref<40x512xf32, #tpu.memory_space<vmem>>
      %dma_start3A_946 = arith.constant 0 : i32
      %dma_start3A_947 = tpu.memref_slice %arg5[%add3A_940, %dma_start3A_946] : memref<160x40xi32, #tpu.memory_space<vmem>> -> memref<1x40xi32, #tpu.memory_space<vmem>>
      %dma_start3A_948 = tpu.memref_squeeze %dma_start3A_947 : memref<1x40xi32, #tpu.memory_space<vmem>> -> memref<40xi32, #tpu.memory_space<vmem>>
      %dma_start3A_949 = arith.constant 0 : i32
      %dma_start3A_950 = arith.constant 0 : i32
      %dma_start3A_951 = tpu.memref_slice %arg2[%dma_start3A_949, %dma_start3A_950] : memref<100001x512xf32, #tpu.memory_space<hbm>> -> memref<100001x512xf32, #tpu.memory_space<hbm>>
      tpu.enqueue_indirect_dma source(%dma_start3A_951 : memref<100001x512xf32, #tpu.memory_space<hbm>>) target(%dma_start3A_945 : memref<40x512xf32, #tpu.memory_space<vmem>>) offsets(%dma_start3A_948 : memref<40xi32, #tpu.memory_space<vmem>>) semaphore(%arg8 : memref<!tpu.dma_semaphore, #tpu.memory_space<semaphore_mem>>)
      %dma_wait3A_952 = arith.constant 4 : i32
      %dma_wait3A_953 = arith.constant 0 : i32
      %dma_wait3A_954 = arith.constant 0 : i32
      %dma_wait3A_955 = tpu.memref_slice %arg6[%dma_wait3A_952, %dma_wait3A_953, %dma_wait3A_954] : memref<5x40x512xf32, #tpu.memory_space<vmem>> -> memref<1x40x512xf32, #tpu.memory_space<vmem>>
      %dma_wait3A_956 = tpu.memref_squeeze %dma_wait3A_955 : memref<1x40x512xf32, #tpu.memory_space<vmem>> -> memref<40x512xf32, #tpu.memory_space<vmem>>
      %dma_wait3A_957 = arith.constant 0 : i32
      %dma_wait3A_958 = arith.constant 0 : i32
      %dma_wait3A_959 = tpu.memref_slice %arg4[%add3A, %dma_wait3A_957, %dma_wait3A_958] : memref<32x6400x512xf32, #tpu.memory_space<hbm>> -> memref<1x40x512xf32, #tpu.memory_space<hbm>>
      %dma_wait3A_960 = tpu.memref_squeeze %dma_wait3A_959 : memref<1x40x512xf32, #tpu.memory_space<hbm>> -> memref<40x512xf32, #tpu.memory_space<hbm>>
      %dma_wait3A_961 = arith.constant 0 : i32
      %dma_wait3A_962 = arith.constant 0 : i32
      %dma_wait3A_963 = tpu.memref_slice %arg6[%dma_wait3A_952, %dma_wait3A_961, %dma_wait3A_962] : memref<5x40x512xf32, #tpu.memory_space<vmem>> -> memref<1x40x512xf32, #tpu.memory_space<vmem>>
      %dma_wait3A_964 = tpu.memref_squeeze %dma_wait3A_963 : memref<1x40x512xf32, #tpu.memory_space<vmem>> -> memref<40x512xf32, #tpu.memory_space<vmem>>
      %dma_wait3A_965 = arith.constant 0 : i32
      %dma_wait3A_966 = arith.constant 0 : i32
      %dma_wait3A_967 = tpu.memref_slice %arg4[%add3A, %dma_wait3A_965, %dma_wait3A_966] : memref<32x6400x512xf32, #tpu.memory_space<hbm>> -> memref<1x40x512xf32, #tpu.memory_space<hbm>>
      %dma_wait3A_968 = tpu.memref_squeeze %dma_wait3A_967 : memref<1x40x512xf32, #tpu.memory_space<hbm>> -> memref<40x512xf32, #tpu.memory_space<hbm>>
      tpu.wait_dma2 semaphore(%arg11 : memref<!tpu.dma_semaphore, #tpu.memory_space<semaphore_mem>>) src(%dma_wait3A_968 : memref<40x512xf32, #tpu.memory_space<hbm>>) dst(%dma_wait3A_964 : memref<40x512xf32, #tpu.memory_space<vmem>>)
      %mul3A_969 = arith.constant 40 : i32
      %mul3A_970 = arith.muli %add3A_917, %mul3A_969 : i32
      %dma_start3A_971 = arith.constant 4 : i32
      %dma_start3A_972 = arith.constant 0 : i32
      %dma_start3A_973 = arith.constant 0 : i32
      %dma_start3A_974 = tpu.memref_slice %arg6[%dma_start3A_971, %dma_start3A_972, %dma_start3A_973] : memref<5x40x512xf32, #tpu.memory_space<vmem>> -> memref<1x40x512xf32, #tpu.memory_space<vmem>>
      %dma_start3A_975 = tpu.memref_squeeze %dma_start3A_974 : memref<1x40x512xf32, #tpu.memory_space<vmem>> -> memref<40x512xf32, #tpu.memory_space<vmem>>
      %dma_start3A_976 = arith.constant 0 : i32
      %dma_start3A_977 = tpu.memref_slice %arg4[%add3A, %mul3A_970, %dma_start3A_976] : memref<32x6400x512xf32, #tpu.memory_space<hbm>> -> memref<1x40x512xf32, #tpu.memory_space<hbm>>
      %dma_start3A_978 = tpu.memref_squeeze %dma_start3A_977 : memref<1x40x512xf32, #tpu.memory_space<hbm>> -> memref<40x512xf32, #tpu.memory_space<hbm>>
      %dma_start3A_979 = arith.constant 0 : i32
      %dma_start3A_980 = tpu.memref_slice %arg4[%add3A, %mul3A_970, %dma_start3A_979] : memref<32x6400x512xf32, #tpu.memory_space<hbm>> -> memref<1x40x512xf32, #tpu.memory_space<hbm>>
      %dma_start3A_981 = tpu.memref_squeeze %dma_start3A_980 : memref<1x40x512xf32, #tpu.memory_space<hbm>> -> memref<40x512xf32, #tpu.memory_space<hbm>>
      %dma_start3A_982 = arith.constant 0 : i32
      %dma_start3A_983 = arith.constant 0 : i32
      %dma_start3A_984 = tpu.memref_slice %arg6[%dma_start3A_971, %dma_start3A_982, %dma_start3A_983] : memref<5x40x512xf32, #tpu.memory_space<vmem>> -> memref<1x40x512xf32, #tpu.memory_space<vmem>>
      %dma_start3A_985 = tpu.memref_squeeze %dma_start3A_984 : memref<1x40x512xf32, #tpu.memory_space<vmem>> -> memref<40x512xf32, #tpu.memory_space<vmem>>
      tpu.enqueue_dma source(%dma_start3A_985 : memref<40x512xf32, #tpu.memory_space<vmem>>) target(%dma_start3A_981 : memref<40x512xf32, #tpu.memory_space<hbm>>) target_semaphore(%arg16 : memref<!tpu.dma_semaphore, #tpu.memory_space<semaphore_mem>>)
    }
    %scan3A_291 = arith.constant 30 : i32
    %dma_wait3A_292 = arith.constant 0 : i32
    %dma_wait3A_293 = arith.constant 0 : i32
    %dma_wait3A_294 = arith.constant 0 : i32
    %dma_wait3A_295 = tpu.memref_slice %arg6[%dma_wait3A_292, %dma_wait3A_293, %dma_wait3A_294] : memref<5x40x512xf32, #tpu.memory_space<vmem>> -> memref<1x40x512xf32, #tpu.memory_space<vmem>>
    %dma_wait3A_296 = tpu.memref_squeeze %dma_wait3A_295 : memref<1x40x512xf32, #tpu.memory_space<vmem>> -> memref<40x512xf32, #tpu.memory_space<vmem>>
    %dma_wait3A_297 = arith.constant 0 : i32
    %dma_wait3A_298 = arith.constant 0 : i32
    %dma_wait3A_299 = tpu.memref_slice %arg4[%add3A, %dma_wait3A_297, %dma_wait3A_298] : memref<32x6400x512xf32, #tpu.memory_space<hbm>> -> memref<1x40x512xf32, #tpu.memory_space<hbm>>
    %dma_wait3A_300 = tpu.memref_squeeze %dma_wait3A_299 : memref<1x40x512xf32, #tpu.memory_space<hbm>> -> memref<40x512xf32, #tpu.memory_space<hbm>>
    %dma_wait3A_301 = arith.constant 0 : i32
    %dma_wait3A_302 = arith.constant 0 : i32
    %dma_wait3A_303 = tpu.memref_slice %arg6[%dma_wait3A_292, %dma_wait3A_301, %dma_wait3A_302] : memref<5x40x512xf32, #tpu.memory_space<vmem>> -> memref<1x40x512xf32, #tpu.memory_space<vmem>>
    %dma_wait3A_304 = tpu.memref_squeeze %dma_wait3A_303 : memref<1x40x512xf32, #tpu.memory_space<vmem>> -> memref<40x512xf32, #tpu.memory_space<vmem>>
    %dma_wait3A_305 = arith.constant 0 : i32
    %dma_wait3A_306 = arith.constant 0 : i32
    %dma_wait3A_307 = tpu.memref_slice %arg4[%add3A, %dma_wait3A_305, %dma_wait3A_306] : memref<32x6400x512xf32, #tpu.memory_space<hbm>> -> memref<1x40x512xf32, #tpu.memory_space<hbm>>
    %dma_wait3A_308 = tpu.memref_squeeze %dma_wait3A_307 : memref<1x40x512xf32, #tpu.memory_space<hbm>> -> memref<40x512xf32, #tpu.memory_space<hbm>>
    tpu.wait_dma2 semaphore(%arg7 : memref<!tpu.dma_semaphore, #tpu.memory_space<semaphore_mem>>) src(%dma_wait3A_308 : memref<40x512xf32, #tpu.memory_space<hbm>>) dst(%dma_wait3A_304 : memref<40x512xf32, #tpu.memory_space<vmem>>)
    %dma_start3A_309 = arith.constant 0 : i32
    %dma_start3A_310 = arith.constant 0 : i32
    %dma_start3A_311 = arith.constant 0 : i32
    %dma_start3A_312 = tpu.memref_slice %arg6[%dma_start3A_309, %dma_start3A_310, %dma_start3A_311] : memref<5x40x512xf32, #tpu.memory_space<vmem>> -> memref<1x40x512xf32, #tpu.memory_space<vmem>>
    %dma_start3A_313 = tpu.memref_squeeze %dma_start3A_312 : memref<1x40x512xf32, #tpu.memory_space<vmem>> -> memref<40x512xf32, #tpu.memory_space<vmem>>
    %dma_start3A_314 = arith.constant 6200 : i32
    %dma_start3A_315 = arith.constant 0 : i32
    %dma_start3A_316 = tpu.memref_slice %arg4[%add3A, %dma_start3A_314, %dma_start3A_315] : memref<32x6400x512xf32, #tpu.memory_space<hbm>> -> memref<1x40x512xf32, #tpu.memory_space<hbm>>
    %dma_start3A_317 = tpu.memref_squeeze %dma_start3A_316 : memref<1x40x512xf32, #tpu.memory_space<hbm>> -> memref<40x512xf32, #tpu.memory_space<hbm>>
    %dma_start3A_318 = arith.constant 6200 : i32
    %dma_start3A_319 = arith.constant 0 : i32
    %dma_start3A_320 = tpu.memref_slice %arg4[%add3A, %dma_start3A_318, %dma_start3A_319] : memref<32x6400x512xf32, #tpu.memory_space<hbm>> -> memref<1x40x512xf32, #tpu.memory_space<hbm>>
    %dma_start3A_321 = tpu.memref_squeeze %dma_start3A_320 : memref<1x40x512xf32, #tpu.memory_space<hbm>> -> memref<40x512xf32, #tpu.memory_space<hbm>>
    %dma_start3A_322 = arith.constant 0 : i32
    %dma_start3A_323 = arith.constant 0 : i32
    %dma_start3A_324 = tpu.memref_slice %arg6[%dma_start3A_309, %dma_start3A_322, %dma_start3A_323] : memref<5x40x512xf32, #tpu.memory_space<vmem>> -> memref<1x40x512xf32, #tpu.memory_space<vmem>>
    %dma_start3A_325 = tpu.memref_squeeze %dma_start3A_324 : memref<1x40x512xf32, #tpu.memory_space<vmem>> -> memref<40x512xf32, #tpu.memory_space<vmem>>
    tpu.enqueue_dma source(%dma_start3A_325 : memref<40x512xf32, #tpu.memory_space<vmem>>) target(%dma_start3A_321 : memref<40x512xf32, #tpu.memory_space<hbm>>) target_semaphore(%arg12 : memref<!tpu.dma_semaphore, #tpu.memory_space<semaphore_mem>>)
    %dma_wait3A_326 = arith.constant 2 : i32
    %dma_wait3A_327 = arith.constant 0 : i32
    %dma_wait3A_328 = arith.constant 0 : i32
    %dma_wait3A_329 = tpu.memref_slice %arg6[%dma_wait3A_326, %dma_wait3A_327, %dma_wait3A_328] : memref<5x40x512xf32, #tpu.memory_space<vmem>> -> memref<1x40x512xf32, #tpu.memory_space<vmem>>
    %dma_wait3A_330 = tpu.memref_squeeze %dma_wait3A_329 : memref<1x40x512xf32, #tpu.memory_space<vmem>> -> memref<40x512xf32, #tpu.memory_space<vmem>>
    %dma_wait3A_331 = arith.constant 6080 : i32
    %dma_wait3A_332 = arith.constant 0 : i32
    %dma_wait3A_333 = tpu.memref_slice %arg4[%add3A, %dma_wait3A_331, %dma_wait3A_332] : memref<32x6400x512xf32, #tpu.memory_space<hbm>> -> memref<1x40x512xf32, #tpu.memory_space<hbm>>
    %dma_wait3A_334 = tpu.memref_squeeze %dma_wait3A_333 : memref<1x40x512xf32, #tpu.memory_space<hbm>> -> memref<40x512xf32, #tpu.memory_space<hbm>>
    %dma_wait3A_335 = arith.constant 6080 : i32
    %dma_wait3A_336 = arith.constant 0 : i32
    %dma_wait3A_337 = tpu.memref_slice %arg4[%add3A, %dma_wait3A_335, %dma_wait3A_336] : memref<32x6400x512xf32, #tpu.memory_space<hbm>> -> memref<1x40x512xf32, #tpu.memory_space<hbm>>
    %dma_wait3A_338 = tpu.memref_squeeze %dma_wait3A_337 : memref<1x40x512xf32, #tpu.memory_space<hbm>> -> memref<40x512xf32, #tpu.memory_space<hbm>>
    %dma_wait3A_339 = arith.constant 0 : i32
    %dma_wait3A_340 = arith.constant 0 : i32
    %dma_wait3A_341 = tpu.memref_slice %arg6[%dma_wait3A_326, %dma_wait3A_339, %dma_wait3A_340] : memref<5x40x512xf32, #tpu.memory_space<vmem>> -> memref<1x40x512xf32, #tpu.memory_space<vmem>>
    %dma_wait3A_342 = tpu.memref_squeeze %dma_wait3A_341 : memref<1x40x512xf32, #tpu.memory_space<vmem>> -> memref<40x512xf32, #tpu.memory_space<vmem>>
    tpu.wait_dma2 semaphore(%arg14 : memref<!tpu.dma_semaphore, #tpu.memory_space<semaphore_mem>>) src(%dma_wait3A_342 : memref<40x512xf32, #tpu.memory_space<vmem>>) dst(%dma_wait3A_338 : memref<40x512xf32, #tpu.memory_space<hbm>>)
    %dma_start3A_343 = arith.constant 157 : i32
    %dma_start3A_344 = arith.constant 2 : i32
    %dma_start3A_345 = arith.constant 0 : i32
    %dma_start3A_346 = arith.constant 0 : i32
    %dma_start3A_347 = tpu.memref_slice %arg6[%dma_start3A_344, %dma_start3A_345, %dma_start3A_346] : memref<5x40x512xf32, #tpu.memory_space<vmem>> -> memref<1x40x512xf32, #tpu.memory_space<vmem>>
    %dma_start3A_348 = tpu.memref_squeeze %dma_start3A_347 : memref<1x40x512xf32, #tpu.memory_space<vmem>> -> memref<40x512xf32, #tpu.memory_space<vmem>>
    %dma_start3A_349 = arith.constant 0 : i32
    %dma_start3A_350 = tpu.memref_slice %arg5[%dma_start3A_343, %dma_start3A_349] : memref<160x40xi32, #tpu.memory_space<vmem>> -> memref<1x40xi32, #tpu.memory_space<vmem>>
    %dma_start3A_351 = tpu.memref_squeeze %dma_start3A_350 : memref<1x40xi32, #tpu.memory_space<vmem>> -> memref<40xi32, #tpu.memory_space<vmem>>
    %dma_start3A_352 = arith.constant 0 : i32
    %dma_start3A_353 = arith.constant 0 : i32
    %dma_start3A_354 = tpu.memref_slice %arg2[%dma_start3A_352, %dma_start3A_353] : memref<100001x512xf32, #tpu.memory_space<hbm>> -> memref<100001x512xf32, #tpu.memory_space<hbm>>
    tpu.enqueue_indirect_dma source(%dma_start3A_354 : memref<100001x512xf32, #tpu.memory_space<hbm>>) target(%dma_start3A_348 : memref<40x512xf32, #tpu.memory_space<vmem>>) offsets(%dma_start3A_351 : memref<40xi32, #tpu.memory_space<vmem>>) semaphore(%arg9 : memref<!tpu.dma_semaphore, #tpu.memory_space<semaphore_mem>>)
    %dma_wait3A_355 = arith.constant 1 : i32
    %dma_wait3A_356 = arith.constant 0 : i32
    %dma_wait3A_357 = arith.constant 0 : i32
    %dma_wait3A_358 = tpu.memref_slice %arg6[%dma_wait3A_355, %dma_wait3A_356, %dma_wait3A_357] : memref<5x40x512xf32, #tpu.memory_space<vmem>> -> memref<1x40x512xf32, #tpu.memory_space<vmem>>
    %dma_wait3A_359 = tpu.memref_squeeze %dma_wait3A_358 : memref<1x40x512xf32, #tpu.memory_space<vmem>> -> memref<40x512xf32, #tpu.memory_space<vmem>>
    %dma_wait3A_360 = arith.constant 0 : i32
    %dma_wait3A_361 = arith.constant 0 : i32
    %dma_wait3A_362 = tpu.memref_slice %arg4[%add3A, %dma_wait3A_360, %dma_wait3A_361] : memref<32x6400x512xf32, #tpu.memory_space<hbm>> -> memref<1x40x512xf32, #tpu.memory_space<hbm>>
    %dma_wait3A_363 = tpu.memref_squeeze %dma_wait3A_362 : memref<1x40x512xf32, #tpu.memory_space<hbm>> -> memref<40x512xf32, #tpu.memory_space<hbm>>
    %dma_wait3A_364 = arith.constant 0 : i32
    %dma_wait3A_365 = arith.constant 0 : i32
    %dma_wait3A_366 = tpu.memref_slice %arg6[%dma_wait3A_355, %dma_wait3A_364, %dma_wait3A_365] : memref<5x40x512xf32, #tpu.memory_space<vmem>> -> memref<1x40x512xf32, #tpu.memory_space<vmem>>
    %dma_wait3A_367 = tpu.memref_squeeze %dma_wait3A_366 : memref<1x40x512xf32, #tpu.memory_space<vmem>> -> memref<40x512xf32, #tpu.memory_space<vmem>>
    %dma_wait3A_368 = arith.constant 0 : i32
    %dma_wait3A_369 = arith.constant 0 : i32
    %dma_wait3A_370 = tpu.memref_slice %arg4[%add3A, %dma_wait3A_368, %dma_wait3A_369] : memref<32x6400x512xf32, #tpu.memory_space<hbm>> -> memref<1x40x512xf32, #tpu.memory_space<hbm>>
    %dma_wait3A_371 = tpu.memref_squeeze %dma_wait3A_370 : memref<1x40x512xf32, #tpu.memory_space<hbm>> -> memref<40x512xf32, #tpu.memory_space<hbm>>
    tpu.wait_dma2 semaphore(%arg8 : memref<!tpu.dma_semaphore, #tpu.memory_space<semaphore_mem>>) src(%dma_wait3A_371 : memref<40x512xf32, #tpu.memory_space<hbm>>) dst(%dma_wait3A_367 : memref<40x512xf32, #tpu.memory_space<vmem>>)
    %dma_start3A_372 = arith.constant 1 : i32
    %dma_start3A_373 = arith.constant 0 : i32
    %dma_start3A_374 = arith.constant 0 : i32
    %dma_start3A_375 = tpu.memref_slice %arg6[%dma_start3A_372, %dma_start3A_373, %dma_start3A_374] : memref<5x40x512xf32, #tpu.memory_space<vmem>> -> memref<1x40x512xf32, #tpu.memory_space<vmem>>
    %dma_start3A_376 = tpu.memref_squeeze %dma_start3A_375 : memref<1x40x512xf32, #tpu.memory_space<vmem>> -> memref<40x512xf32, #tpu.memory_space<vmem>>
    %dma_start3A_377 = arith.constant 6240 : i32
    %dma_start3A_378 = arith.constant 0 : i32
    %dma_start3A_379 = tpu.memref_slice %arg4[%add3A, %dma_start3A_377, %dma_start3A_378] : memref<32x6400x512xf32, #tpu.memory_space<hbm>> -> memref<1x40x512xf32, #tpu.memory_space<hbm>>
    %dma_start3A_380 = tpu.memref_squeeze %dma_start3A_379 : memref<1x40x512xf32, #tpu.memory_space<hbm>> -> memref<40x512xf32, #tpu.memory_space<hbm>>
    %dma_start3A_381 = arith.constant 6240 : i32
    %dma_start3A_382 = arith.constant 0 : i32
    %dma_start3A_383 = tpu.memref_slice %arg4[%add3A, %dma_start3A_381, %dma_start3A_382] : memref<32x6400x512xf32, #tpu.memory_space<hbm>> -> memref<1x40x512xf32, #tpu.memory_space<hbm>>
    %dma_start3A_384 = tpu.memref_squeeze %dma_start3A_383 : memref<1x40x512xf32, #tpu.memory_space<hbm>> -> memref<40x512xf32, #tpu.memory_space<hbm>>
    %dma_start3A_385 = arith.constant 0 : i32
    %dma_start3A_386 = arith.constant 0 : i32
    %dma_start3A_387 = tpu.memref_slice %arg6[%dma_start3A_372, %dma_start3A_385, %dma_start3A_386] : memref<5x40x512xf32, #tpu.memory_space<vmem>> -> memref<1x40x512xf32, #tpu.memory_space<vmem>>
    %dma_start3A_388 = tpu.memref_squeeze %dma_start3A_387 : memref<1x40x512xf32, #tpu.memory_space<vmem>> -> memref<40x512xf32, #tpu.memory_space<vmem>>
    tpu.enqueue_dma source(%dma_start3A_388 : memref<40x512xf32, #tpu.memory_space<vmem>>) target(%dma_start3A_384 : memref<40x512xf32, #tpu.memory_space<hbm>>) target_semaphore(%arg13 : memref<!tpu.dma_semaphore, #tpu.memory_space<semaphore_mem>>)
    %dma_wait3A_389 = arith.constant 3 : i32
    %dma_wait3A_390 = arith.constant 0 : i32
    %dma_wait3A_391 = arith.constant 0 : i32
    %dma_wait3A_392 = tpu.memref_slice %arg6[%dma_wait3A_389, %dma_wait3A_390, %dma_wait3A_391] : memref<5x40x512xf32, #tpu.memory_space<vmem>> -> memref<1x40x512xf32, #tpu.memory_space<vmem>>
    %dma_wait3A_393 = tpu.memref_squeeze %dma_wait3A_392 : memref<1x40x512xf32, #tpu.memory_space<vmem>> -> memref<40x512xf32, #tpu.memory_space<vmem>>
    %dma_wait3A_394 = arith.constant 6120 : i32
    %dma_wait3A_395 = arith.constant 0 : i32
    %dma_wait3A_396 = tpu.memref_slice %arg4[%add3A, %dma_wait3A_394, %dma_wait3A_395] : memref<32x6400x512xf32, #tpu.memory_space<hbm>> -> memref<1x40x512xf32, #tpu.memory_space<hbm>>
    %dma_wait3A_397 = tpu.memref_squeeze %dma_wait3A_396 : memref<1x40x512xf32, #tpu.memory_space<hbm>> -> memref<40x512xf32, #tpu.memory_space<hbm>>
    %dma_wait3A_398 = arith.constant 6120 : i32
    %dma_wait3A_399 = arith.constant 0 : i32
    %dma_wait3A_400 = tpu.memref_slice %arg4[%add3A, %dma_wait3A_398, %dma_wait3A_399] : memref<32x6400x512xf32, #tpu.memory_space<hbm>> -> memref<1x40x512xf32, #tpu.memory_space<hbm>>
    %dma_wait3A_401 = tpu.memref_squeeze %dma_wait3A_400 : memref<1x40x512xf32, #tpu.memory_space<hbm>> -> memref<40x512xf32, #tpu.memory_space<hbm>>
    %dma_wait3A_402 = arith.constant 0 : i32
    %dma_wait3A_403 = arith.constant 0 : i32
    %dma_wait3A_404 = tpu.memref_slice %arg6[%dma_wait3A_389, %dma_wait3A_402, %dma_wait3A_403] : memref<5x40x512xf32, #tpu.memory_space<vmem>> -> memref<1x40x512xf32, #tpu.memory_space<vmem>>
    %dma_wait3A_405 = tpu.memref_squeeze %dma_wait3A_404 : memref<1x40x512xf32, #tpu.memory_space<vmem>> -> memref<40x512xf32, #tpu.memory_space<vmem>>
    tpu.wait_dma2 semaphore(%arg15 : memref<!tpu.dma_semaphore, #tpu.memory_space<semaphore_mem>>) src(%dma_wait3A_405 : memref<40x512xf32, #tpu.memory_space<vmem>>) dst(%dma_wait3A_401 : memref<40x512xf32, #tpu.memory_space<hbm>>)
    %dma_start3A_406 = arith.constant 158 : i32
    %dma_start3A_407 = arith.constant 3 : i32
    %dma_start3A_408 = arith.constant 0 : i32
    %dma_start3A_409 = arith.constant 0 : i32
    %dma_start3A_410 = tpu.memref_slice %arg6[%dma_start3A_407, %dma_start3A_408, %dma_start3A_409] : memref<5x40x512xf32, #tpu.memory_space<vmem>> -> memref<1x40x512xf32, #tpu.memory_space<vmem>>
    %dma_start3A_411 = tpu.memref_squeeze %dma_start3A_410 : memref<1x40x512xf32, #tpu.memory_space<vmem>> -> memref<40x512xf32, #tpu.memory_space<vmem>>
    %dma_start3A_412 = arith.constant 0 : i32
    %dma_start3A_413 = tpu.memref_slice %arg5[%dma_start3A_406, %dma_start3A_412] : memref<160x40xi32, #tpu.memory_space<vmem>> -> memref<1x40xi32, #tpu.memory_space<vmem>>
    %dma_start3A_414 = tpu.memref_squeeze %dma_start3A_413 : memref<1x40xi32, #tpu.memory_space<vmem>> -> memref<40xi32, #tpu.memory_space<vmem>>
    %dma_start3A_415 = arith.constant 0 : i32
    %dma_start3A_416 = arith.constant 0 : i32
    %dma_start3A_417 = tpu.memref_slice %arg2[%dma_start3A_415, %dma_start3A_416] : memref<100001x512xf32, #tpu.memory_space<hbm>> -> memref<100001x512xf32, #tpu.memory_space<hbm>>
    tpu.enqueue_indirect_dma source(%dma_start3A_417 : memref<100001x512xf32, #tpu.memory_space<hbm>>) target(%dma_start3A_411 : memref<40x512xf32, #tpu.memory_space<vmem>>) offsets(%dma_start3A_414 : memref<40xi32, #tpu.memory_space<vmem>>) semaphore(%arg10 : memref<!tpu.dma_semaphore, #tpu.memory_space<semaphore_mem>>)
    %dma_wait3A_418 = arith.constant 2 : i32
    %dma_wait3A_419 = arith.constant 0 : i32
    %dma_wait3A_420 = arith.constant 0 : i32
    %dma_wait3A_421 = tpu.memref_slice %arg6[%dma_wait3A_418, %dma_wait3A_419, %dma_wait3A_420] : memref<5x40x512xf32, #tpu.memory_space<vmem>> -> memref<1x40x512xf32, #tpu.memory_space<vmem>>
    %dma_wait3A_422 = tpu.memref_squeeze %dma_wait3A_421 : memref<1x40x512xf32, #tpu.memory_space<vmem>> -> memref<40x512xf32, #tpu.memory_space<vmem>>
    %dma_wait3A_423 = arith.constant 0 : i32
    %dma_wait3A_424 = arith.constant 0 : i32
    %dma_wait3A_425 = tpu.memref_slice %arg4[%add3A, %dma_wait3A_423, %dma_wait3A_424] : memref<32x6400x512xf32, #tpu.memory_space<hbm>> -> memref<1x40x512xf32, #tpu.memory_space<hbm>>
    %dma_wait3A_426 = tpu.memref_squeeze %dma_wait3A_425 : memref<1x40x512xf32, #tpu.memory_space<hbm>> -> memref<40x512xf32, #tpu.memory_space<hbm>>
    %dma_wait3A_427 = arith.constant 0 : i32
    %dma_wait3A_428 = arith.constant 0 : i32
    %dma_wait3A_429 = tpu.memref_slice %arg6[%dma_wait3A_418, %dma_wait3A_427, %dma_wait3A_428] : memref<5x40x512xf32, #tpu.memory_space<vmem>> -> memref<1x40x512xf32, #tpu.memory_space<vmem>>
    %dma_wait3A_430 = tpu.memref_squeeze %dma_wait3A_429 : memref<1x40x512xf32, #tpu.memory_space<vmem>> -> memref<40x512xf32, #tpu.memory_space<vmem>>
    %dma_wait3A_431 = arith.constant 0 : i32
    %dma_wait3A_432 = arith.constant 0 : i32
    %dma_wait3A_433 = tpu.memref_slice %arg4[%add3A, %dma_wait3A_431, %dma_wait3A_432] : memref<32x6400x512xf32, #tpu.memory_space<hbm>> -> memref<1x40x512xf32, #tpu.memory_space<hbm>>
    %dma_wait3A_434 = tpu.memref_squeeze %dma_wait3A_433 : memref<1x40x512xf32, #tpu.memory_space<hbm>> -> memref<40x512xf32, #tpu.memory_space<hbm>>
    tpu.wait_dma2 semaphore(%arg9 : memref<!tpu.dma_semaphore, #tpu.memory_space<semaphore_mem>>) src(%dma_wait3A_434 : memref<40x512xf32, #tpu.memory_space<hbm>>) dst(%dma_wait3A_430 : memref<40x512xf32, #tpu.memory_space<vmem>>)
    %dma_start3A_435 = arith.constant 2 : i32
    %dma_start3A_436 = arith.constant 0 : i32
    %dma_start3A_437 = arith.constant 0 : i32
    %dma_start3A_438 = tpu.memref_slice %arg6[%dma_start3A_435, %dma_start3A_436, %dma_start3A_437] : memref<5x40x512xf32, #tpu.memory_space<vmem>> -> memref<1x40x512xf32, #tpu.memory_space<vmem>>
    %dma_start3A_439 = tpu.memref_squeeze %dma_start3A_438 : memref<1x40x512xf32, #tpu.memory_space<vmem>> -> memref<40x512xf32, #tpu.memory_space<vmem>>
    %dma_start3A_440 = arith.constant 6280 : i32
    %dma_start3A_441 = arith.constant 0 : i32
    %dma_start3A_442 = tpu.memref_slice %arg4[%add3A, %dma_start3A_440, %dma_start3A_441] : memref<32x6400x512xf32, #tpu.memory_space<hbm>> -> memref<1x40x512xf32, #tpu.memory_space<hbm>>
    %dma_start3A_443 = tpu.memref_squeeze %dma_start3A_442 : memref<1x40x512xf32, #tpu.memory_space<hbm>> -> memref<40x512xf32, #tpu.memory_space<hbm>>
    %dma_start3A_444 = arith.constant 6280 : i32
    %dma_start3A_445 = arith.constant 0 : i32
    %dma_start3A_446 = tpu.memref_slice %arg4[%add3A, %dma_start3A_444, %dma_start3A_445] : memref<32x6400x512xf32, #tpu.memory_space<hbm>> -> memref<1x40x512xf32, #tpu.memory_space<hbm>>
    %dma_start3A_447 = tpu.memref_squeeze %dma_start3A_446 : memref<1x40x512xf32, #tpu.memory_space<hbm>> -> memref<40x512xf32, #tpu.memory_space<hbm>>
    %dma_start3A_448 = arith.constant 0 : i32
    %dma_start3A_449 = arith.constant 0 : i32
    %dma_start3A_450 = tpu.memref_slice %arg6[%dma_start3A_435, %dma_start3A_448, %dma_start3A_449] : memref<5x40x512xf32, #tpu.memory_space<vmem>> -> memref<1x40x512xf32, #tpu.memory_space<vmem>>
    %dma_start3A_451 = tpu.memref_squeeze %dma_start3A_450 : memref<1x40x512xf32, #tpu.memory_space<vmem>> -> memref<40x512xf32, #tpu.memory_space<vmem>>
    tpu.enqueue_dma source(%dma_start3A_451 : memref<40x512xf32, #tpu.memory_space<vmem>>) target(%dma_start3A_447 : memref<40x512xf32, #tpu.memory_space<hbm>>) target_semaphore(%arg14 : memref<!tpu.dma_semaphore, #tpu.memory_space<semaphore_mem>>)
    %dma_wait3A_452 = arith.constant 4 : i32
    %dma_wait3A_453 = arith.constant 0 : i32
    %dma_wait3A_454 = arith.constant 0 : i32
    %dma_wait3A_455 = tpu.memref_slice %arg6[%dma_wait3A_452, %dma_wait3A_453, %dma_wait3A_454] : memref<5x40x512xf32, #tpu.memory_space<vmem>> -> memref<1x40x512xf32, #tpu.memory_space<vmem>>
    %dma_wait3A_456 = tpu.memref_squeeze %dma_wait3A_455 : memref<1x40x512xf32, #tpu.memory_space<vmem>> -> memref<40x512xf32, #tpu.memory_space<vmem>>
    %dma_wait3A_457 = arith.constant 6160 : i32
    %dma_wait3A_458 = arith.constant 0 : i32
    %dma_wait3A_459 = tpu.memref_slice %arg4[%add3A, %dma_wait3A_457, %dma_wait3A_458] : memref<32x6400x512xf32, #tpu.memory_space<hbm>> -> memref<1x40x512xf32, #tpu.memory_space<hbm>>
    %dma_wait3A_460 = tpu.memref_squeeze %dma_wait3A_459 : memref<1x40x512xf32, #tpu.memory_space<hbm>> -> memref<40x512xf32, #tpu.memory_space<hbm>>
    %dma_wait3A_461 = arith.constant 6160 : i32
    %dma_wait3A_462 = arith.constant 0 : i32
    %dma_wait3A_463 = tpu.memref_slice %arg4[%add3A, %dma_wait3A_461, %dma_wait3A_462] : memref<32x6400x512xf32, #tpu.memory_space<hbm>> -> memref<1x40x512xf32, #tpu.memory_space<hbm>>
    %dma_wait3A_464 = tpu.memref_squeeze %dma_wait3A_463 : memref<1x40x512xf32, #tpu.memory_space<hbm>> -> memref<40x512xf32, #tpu.memory_space<hbm>>
    %dma_wait3A_465 = arith.constant 0 : i32
    %dma_wait3A_466 = arith.constant 0 : i32
    %dma_wait3A_467 = tpu.memref_slice %arg6[%dma_wait3A_452, %dma_wait3A_465, %dma_wait3A_466] : memref<5x40x512xf32, #tpu.memory_space<vmem>> -> memref<1x40x512xf32, #tpu.memory_space<vmem>>
    %dma_wait3A_468 = tpu.memref_squeeze %dma_wait3A_467 : memref<1x40x512xf32, #tpu.memory_space<vmem>> -> memref<40x512xf32, #tpu.memory_space<vmem>>
    tpu.wait_dma2 semaphore(%arg16 : memref<!tpu.dma_semaphore, #tpu.memory_space<semaphore_mem>>) src(%dma_wait3A_468 : memref<40x512xf32, #tpu.memory_space<vmem>>) dst(%dma_wait3A_464 : memref<40x512xf32, #tpu.memory_space<hbm>>)
    %dma_start3A_469 = arith.constant 159 : i32
    %dma_start3A_470 = arith.constant 4 : i32
    %dma_start3A_471 = arith.constant 0 : i32
    %dma_start3A_472 = arith.constant 0 : i32
    %dma_start3A_473 = tpu.memref_slice %arg6[%dma_start3A_470, %dma_start3A_471, %dma_start3A_472] : memref<5x40x512xf32, #tpu.memory_space<vmem>> -> memref<1x40x512xf32, #tpu.memory_space<vmem>>
    %dma_start3A_474 = tpu.memref_squeeze %dma_start3A_473 : memref<1x40x512xf32, #tpu.memory_space<vmem>> -> memref<40x512xf32, #tpu.memory_space<vmem>>
    %dma_start3A_475 = arith.constant 0 : i32
    %dma_start3A_476 = tpu.memref_slice %arg5[%dma_start3A_469, %dma_start3A_475] : memref<160x40xi32, #tpu.memory_space<vmem>> -> memref<1x40xi32, #tpu.memory_space<vmem>>
    %dma_start3A_477 = tpu.memref_squeeze %dma_start3A_476 : memref<1x40xi32, #tpu.memory_space<vmem>> -> memref<40xi32, #tpu.memory_space<vmem>>
    %dma_start3A_478 = arith.constant 0 : i32
    %dma_start3A_479 = arith.constant 0 : i32
    %dma_start3A_480 = tpu.memref_slice %arg2[%dma_start3A_478, %dma_start3A_479] : memref<100001x512xf32, #tpu.memory_space<hbm>> -> memref<100001x512xf32, #tpu.memory_space<hbm>>
    tpu.enqueue_indirect_dma source(%dma_start3A_480 : memref<100001x512xf32, #tpu.memory_space<hbm>>) target(%dma_start3A_474 : memref<40x512xf32, #tpu.memory_space<vmem>>) offsets(%dma_start3A_477 : memref<40xi32, #tpu.memory_space<vmem>>) semaphore(%arg11 : memref<!tpu.dma_semaphore, #tpu.memory_space<semaphore_mem>>)
    %dma_wait3A_481 = arith.constant 3 : i32
    %dma_wait3A_482 = arith.constant 0 : i32
    %dma_wait3A_483 = arith.constant 0 : i32
    %dma_wait3A_484 = tpu.memref_slice %arg6[%dma_wait3A_481, %dma_wait3A_482, %dma_wait3A_483] : memref<5x40x512xf32, #tpu.memory_space<vmem>> -> memref<1x40x512xf32, #tpu.memory_space<vmem>>
    %dma_wait3A_485 = tpu.memref_squeeze %dma_wait3A_484 : memref<1x40x512xf32, #tpu.memory_space<vmem>> -> memref<40x512xf32, #tpu.memory_space<vmem>>
    %dma_wait3A_486 = arith.constant 0 : i32
    %dma_wait3A_487 = arith.constant 0 : i32
    %dma_wait3A_488 = tpu.memref_slice %arg4[%add3A, %dma_wait3A_486, %dma_wait3A_487] : memref<32x6400x512xf32, #tpu.memory_space<hbm>> -> memref<1x40x512xf32, #tpu.memory_space<hbm>>
    %dma_wait3A_489 = tpu.memref_squeeze %dma_wait3A_488 : memref<1x40x512xf32, #tpu.memory_space<hbm>> -> memref<40x512xf32, #tpu.memory_space<hbm>>
    %dma_wait3A_490 = arith.constant 0 : i32
    %dma_wait3A_491 = arith.constant 0 : i32
    %dma_wait3A_492 = tpu.memref_slice %arg6[%dma_wait3A_481, %dma_wait3A_490, %dma_wait3A_491] : memref<5x40x512xf32, #tpu.memory_space<vmem>> -> memref<1x40x512xf32, #tpu.memory_space<vmem>>
    %dma_wait3A_493 = tpu.memref_squeeze %dma_wait3A_492 : memref<1x40x512xf32, #tpu.memory_space<vmem>> -> memref<40x512xf32, #tpu.memory_space<vmem>>
    %dma_wait3A_494 = arith.constant 0 : i32
    %dma_wait3A_495 = arith.constant 0 : i32
    %dma_wait3A_496 = tpu.memref_slice %arg4[%add3A, %dma_wait3A_494, %dma_wait3A_495] : memref<32x6400x512xf32, #tpu.memory_space<hbm>> -> memref<1x40x512xf32, #tpu.memory_space<hbm>>
    %dma_wait3A_497 = tpu.memref_squeeze %dma_wait3A_496 : memref<1x40x512xf32, #tpu.memory_space<hbm>> -> memref<40x512xf32, #tpu.memory_space<hbm>>
    tpu.wait_dma2 semaphore(%arg10 : memref<!tpu.dma_semaphore, #tpu.memory_space<semaphore_mem>>) src(%dma_wait3A_497 : memref<40x512xf32, #tpu.memory_space<hbm>>) dst(%dma_wait3A_493 : memref<40x512xf32, #tpu.memory_space<vmem>>)
    %dma_start3A_498 = arith.constant 3 : i32
    %dma_start3A_499 = arith.constant 0 : i32
    %dma_start3A_500 = arith.constant 0 : i32
    %dma_start3A_501 = tpu.memref_slice %arg6[%dma_start3A_498, %dma_start3A_499, %dma_start3A_500] : memref<5x40x512xf32, #tpu.memory_space<vmem>> -> memref<1x40x512xf32, #tpu.memory_space<vmem>>
    %dma_start3A_502 = tpu.memref_squeeze %dma_start3A_501 : memref<1x40x512xf32, #tpu.memory_space<vmem>> -> memref<40x512xf32, #tpu.memory_space<vmem>>
    %dma_start3A_503 = arith.constant 6320 : i32
    %dma_start3A_504 = arith.constant 0 : i32
    %dma_start3A_505 = tpu.memref_slice %arg4[%add3A, %dma_start3A_503, %dma_start3A_504] : memref<32x6400x512xf32, #tpu.memory_space<hbm>> -> memref<1x40x512xf32, #tpu.memory_space<hbm>>
    %dma_start3A_506 = tpu.memref_squeeze %dma_start3A_505 : memref<1x40x512xf32, #tpu.memory_space<hbm>> -> memref<40x512xf32, #tpu.memory_space<hbm>>
    %dma_start3A_507 = arith.constant 6320 : i32
    %dma_start3A_508 = arith.constant 0 : i32
    %dma_start3A_509 = tpu.memref_slice %arg4[%add3A, %dma_start3A_507, %dma_start3A_508] : memref<32x6400x512xf32, #tpu.memory_space<hbm>> -> memref<1x40x512xf32, #tpu.memory_space<hbm>>
    %dma_start3A_510 = tpu.memref_squeeze %dma_start3A_509 : memref<1x40x512xf32, #tpu.memory_space<hbm>> -> memref<40x512xf32, #tpu.memory_space<hbm>>
    %dma_start3A_511 = arith.constant 0 : i32
    %dma_start3A_512 = arith.constant 0 : i32
    %dma_start3A_513 = tpu.memref_slice %arg6[%dma_start3A_498, %dma_start3A_511, %dma_start3A_512] : memref<5x40x512xf32, #tpu.memory_space<vmem>> -> memref<1x40x512xf32, #tpu.memory_space<vmem>>
    %dma_start3A_514 = tpu.memref_squeeze %dma_start3A_513 : memref<1x40x512xf32, #tpu.memory_space<vmem>> -> memref<40x512xf32, #tpu.memory_space<vmem>>
    tpu.enqueue_dma source(%dma_start3A_514 : memref<40x512xf32, #tpu.memory_space<vmem>>) target(%dma_start3A_510 : memref<40x512xf32, #tpu.memory_space<hbm>>) target_semaphore(%arg15 : memref<!tpu.dma_semaphore, #tpu.memory_space<semaphore_mem>>)
    %dma_wait3A_515 = arith.constant 4 : i32
    %dma_wait3A_516 = arith.constant 0 : i32
    %dma_wait3A_517 = arith.constant 0 : i32
    %dma_wait3A_518 = tpu.memref_slice %arg6[%dma_wait3A_515, %dma_wait3A_516, %dma_wait3A_517] : memref<5x40x512xf32, #tpu.memory_space<vmem>> -> memref<1x40x512xf32, #tpu.memory_space<vmem>>
    %dma_wait3A_519 = tpu.memref_squeeze %dma_wait3A_518 : memref<1x40x512xf32, #tpu.memory_space<vmem>> -> memref<40x512xf32, #tpu.memory_space<vmem>>
    %dma_wait3A_520 = arith.constant 0 : i32
    %dma_wait3A_521 = arith.constant 0 : i32
    %dma_wait3A_522 = tpu.memref_slice %arg4[%add3A, %dma_wait3A_520, %dma_wait3A_521] : memref<32x6400x512xf32, #tpu.memory_space<hbm>> -> memref<1x40x512xf32, #tpu.memory_space<hbm>>
    %dma_wait3A_523 = tpu.memref_squeeze %dma_wait3A_522 : memref<1x40x512xf32, #tpu.memory_space<hbm>> -> memref<40x512xf32, #tpu.memory_space<hbm>>
    %dma_wait3A_524 = arith.constant 0 : i32
    %dma_wait3A_525 = arith.constant 0 : i32
    %dma_wait3A_526 = tpu.memref_slice %arg6[%dma_wait3A_515, %dma_wait3A_524, %dma_wait3A_525] : memref<5x40x512xf32, #tpu.memory_space<vmem>> -> memref<1x40x512xf32, #tpu.memory_space<vmem>>
    %dma_wait3A_527 = tpu.memref_squeeze %dma_wait3A_526 : memref<1x40x512xf32, #tpu.memory_space<vmem>> -> memref<40x512xf32, #tpu.memory_space<vmem>>
    %dma_wait3A_528 = arith.constant 0 : i32
    %dma_wait3A_529 = arith.constant 0 : i32
    %dma_wait3A_530 = tpu.memref_slice %arg4[%add3A, %dma_wait3A_528, %dma_wait3A_529] : memref<32x6400x512xf32, #tpu.memory_space<hbm>> -> memref<1x40x512xf32, #tpu.memory_space<hbm>>
    %dma_wait3A_531 = tpu.memref_squeeze %dma_wait3A_530 : memref<1x40x512xf32, #tpu.memory_space<hbm>> -> memref<40x512xf32, #tpu.memory_space<hbm>>
    tpu.wait_dma2 semaphore(%arg11 : memref<!tpu.dma_semaphore, #tpu.memory_space<semaphore_mem>>) src(%dma_wait3A_531 : memref<40x512xf32, #tpu.memory_space<hbm>>) dst(%dma_wait3A_527 : memref<40x512xf32, #tpu.memory_space<vmem>>)
    %dma_start3A_532 = arith.constant 4 : i32
    %dma_start3A_533 = arith.constant 0 : i32
    %dma_start3A_534 = arith.constant 0 : i32
    %dma_start3A_535 = tpu.memref_slice %arg6[%dma_start3A_532, %dma_start3A_533, %dma_start3A_534] : memref<5x40x512xf32, #tpu.memory_space<vmem>> -> memref<1x40x512xf32, #tpu.memory_space<vmem>>
    %dma_start3A_536 = tpu.memref_squeeze %dma_start3A_535 : memref<1x40x512xf32, #tpu.memory_space<vmem>> -> memref<40x512xf32, #tpu.memory_space<vmem>>
    %dma_start3A_537 = arith.constant 6360 : i32
    %dma_start3A_538 = arith.constant 0 : i32
    %dma_start3A_539 = tpu.memref_slice %arg4[%add3A, %dma_start3A_537, %dma_start3A_538] : memref<32x6400x512xf32, #tpu.memory_space<hbm>> -> memref<1x40x512xf32, #tpu.memory_space<hbm>>
    %dma_start3A_540 = tpu.memref_squeeze %dma_start3A_539 : memref<1x40x512xf32, #tpu.memory_space<hbm>> -> memref<40x512xf32, #tpu.memory_space<hbm>>
    %dma_start3A_541 = arith.constant 6360 : i32
    %dma_start3A_542 = arith.constant 0 : i32
    %dma_start3A_543 = tpu.memref_slice %arg4[%add3A, %dma_start3A_541, %dma_start3A_542] : memref<32x6400x512xf32, #tpu.memory_space<hbm>> -> memref<1x40x512xf32, #tpu.memory_space<hbm>>
    %dma_start3A_544 = tpu.memref_squeeze %dma_start3A_543 : memref<1x40x512xf32, #tpu.memory_space<hbm>> -> memref<40x512xf32, #tpu.memory_space<hbm>>
    %dma_start3A_545 = arith.constant 0 : i32
    %dma_start3A_546 = arith.constant 0 : i32
    %dma_start3A_547 = tpu.memref_slice %arg6[%dma_start3A_532, %dma_start3A_545, %dma_start3A_546] : memref<5x40x512xf32, #tpu.memory_space<vmem>> -> memref<1x40x512xf32, #tpu.memory_space<vmem>>
    %dma_start3A_548 = tpu.memref_squeeze %dma_start3A_547 : memref<1x40x512xf32, #tpu.memory_space<vmem>> -> memref<40x512xf32, #tpu.memory_space<vmem>>
    tpu.enqueue_dma source(%dma_start3A_548 : memref<40x512xf32, #tpu.memory_space<vmem>>) target(%dma_start3A_544 : memref<40x512xf32, #tpu.memory_space<hbm>>) target_semaphore(%arg16 : memref<!tpu.dma_semaphore, #tpu.memory_space<semaphore_mem>>)
    %dma_wait3A_549 = arith.constant 0 : i32
    %dma_wait3A_550 = arith.constant 0 : i32
    %dma_wait3A_551 = arith.constant 0 : i32
    %dma_wait3A_552 = tpu.memref_slice %arg6[%dma_wait3A_549, %dma_wait3A_550, %dma_wait3A_551] : memref<5x40x512xf32, #tpu.memory_space<vmem>> -> memref<1x40x512xf32, #tpu.memory_space<vmem>>
    %dma_wait3A_553 = tpu.memref_squeeze %dma_wait3A_552 : memref<1x40x512xf32, #tpu.memory_space<vmem>> -> memref<40x512xf32, #tpu.memory_space<vmem>>
    %dma_wait3A_554 = arith.constant 6200 : i32
    %dma_wait3A_555 = arith.constant 0 : i32
    %dma_wait3A_556 = tpu.memref_slice %arg4[%add3A, %dma_wait3A_554, %dma_wait3A_555] : memref<32x6400x512xf32, #tpu.memory_space<hbm>> -> memref<1x40x512xf32, #tpu.memory_space<hbm>>
    %dma_wait3A_557 = tpu.memref_squeeze %dma_wait3A_556 : memref<1x40x512xf32, #tpu.memory_space<hbm>> -> memref<40x512xf32, #tpu.memory_space<hbm>>
    %dma_wait3A_558 = arith.constant 6200 : i32
    %dma_wait3A_559 = arith.constant 0 : i32
    %dma_wait3A_560 = tpu.memref_slice %arg4[%add3A, %dma_wait3A_558, %dma_wait3A_559] : memref<32x6400x512xf32, #tpu.memory_space<hbm>> -> memref<1x40x512xf32, #tpu.memory_space<hbm>>
    %dma_wait3A_561 = tpu.memref_squeeze %dma_wait3A_560 : memref<1x40x512xf32, #tpu.memory_space<hbm>> -> memref<40x512xf32, #tpu.memory_space<hbm>>
    %dma_wait3A_562 = arith.constant 0 : i32
    %dma_wait3A_563 = arith.constant 0 : i32
    %dma_wait3A_564 = tpu.memref_slice %arg6[%dma_wait3A_549, %dma_wait3A_562, %dma_wait3A_563] : memref<5x40x512xf32, #tpu.memory_space<vmem>> -> memref<1x40x512xf32, #tpu.memory_space<vmem>>
    %dma_wait3A_565 = tpu.memref_squeeze %dma_wait3A_564 : memref<1x40x512xf32, #tpu.memory_space<vmem>> -> memref<40x512xf32, #tpu.memory_space<vmem>>
    tpu.wait_dma2 semaphore(%arg12 : memref<!tpu.dma_semaphore, #tpu.memory_space<semaphore_mem>>) src(%dma_wait3A_565 : memref<40x512xf32, #tpu.memory_space<vmem>>) dst(%dma_wait3A_561 : memref<40x512xf32, #tpu.memory_space<hbm>>)
    %dma_wait3A_566 = arith.constant 1 : i32
    %dma_wait3A_567 = arith.constant 0 : i32
    %dma_wait3A_568 = arith.constant 0 : i32
    %dma_wait3A_569 = tpu.memref_slice %arg6[%dma_wait3A_566, %dma_wait3A_567, %dma_wait3A_568] : memref<5x40x512xf32, #tpu.memory_space<vmem>> -> memref<1x40x512xf32, #tpu.memory_space<vmem>>
    %dma_wait3A_570 = tpu.memref_squeeze %dma_wait3A_569 : memref<1x40x512xf32, #tpu.memory_space<vmem>> -> memref<40x512xf32, #tpu.memory_space<vmem>>
    %dma_wait3A_571 = arith.constant 6240 : i32
    %dma_wait3A_572 = arith.constant 0 : i32
    %dma_wait3A_573 = tpu.memref_slice %arg4[%add3A, %dma_wait3A_571, %dma_wait3A_572] : memref<32x6400x512xf32, #tpu.memory_space<hbm>> -> memref<1x40x512xf32, #tpu.memory_space<hbm>>
    %dma_wait3A_574 = tpu.memref_squeeze %dma_wait3A_573 : memref<1x40x512xf32, #tpu.memory_space<hbm>> -> memref<40x512xf32, #tpu.memory_space<hbm>>
    %dma_wait3A_575 = arith.constant 6240 : i32
    %dma_wait3A_576 = arith.constant 0 : i32
    %dma_wait3A_577 = tpu.memref_slice %arg4[%add3A, %dma_wait3A_575, %dma_wait3A_576] : memref<32x6400x512xf32, #tpu.memory_space<hbm>> -> memref<1x40x512xf32, #tpu.memory_space<hbm>>
    %dma_wait3A_578 = tpu.memref_squeeze %dma_wait3A_577 : memref<1x40x512xf32, #tpu.memory_space<hbm>> -> memref<40x512xf32, #tpu.memory_space<hbm>>
    %dma_wait3A_579 = arith.constant 0 : i32
    %dma_wait3A_580 = arith.constant 0 : i32
    %dma_wait3A_581 = tpu.memref_slice %arg6[%dma_wait3A_566, %dma_wait3A_579, %dma_wait3A_580] : memref<5x40x512xf32, #tpu.memory_space<vmem>> -> memref<1x40x512xf32, #tpu.memory_space<vmem>>
    %dma_wait3A_582 = tpu.memref_squeeze %dma_wait3A_581 : memref<1x40x512xf32, #tpu.memory_space<vmem>> -> memref<40x512xf32, #tpu.memory_space<vmem>>
    tpu.wait_dma2 semaphore(%arg13 : memref<!tpu.dma_semaphore, #tpu.memory_space<semaphore_mem>>) src(%dma_wait3A_582 : memref<40x512xf32, #tpu.memory_space<vmem>>) dst(%dma_wait3A_578 : memref<40x512xf32, #tpu.memory_space<hbm>>)
    %dma_wait3A_583 = arith.constant 2 : i32
    %dma_wait3A_584 = arith.constant 0 : i32
    %dma_wait3A_585 = arith.constant 0 : i32
    %dma_wait3A_586 = tpu.memref_slice %arg6[%dma_wait3A_583, %dma_wait3A_584, %dma_wait3A_585] : memref<5x40x512xf32, #tpu.memory_space<vmem>> -> memref<1x40x512xf32, #tpu.memory_space<vmem>>
    %dma_wait3A_587 = tpu.memref_squeeze %dma_wait3A_586 : memref<1x40x512xf32, #tpu.memory_space<vmem>> -> memref<40x512xf32, #tpu.memory_space<vmem>>
    %dma_wait3A_588 = arith.constant 6280 : i32
    %dma_wait3A_589 = arith.constant 0 : i32
    %dma_wait3A_590 = tpu.memref_slice %arg4[%add3A, %dma_wait3A_588, %dma_wait3A_589] : memref<32x6400x512xf32, #tpu.memory_space<hbm>> -> memref<1x40x512xf32, #tpu.memory_space<hbm>>
    %dma_wait3A_591 = tpu.memref_squeeze %dma_wait3A_590 : memref<1x40x512xf32, #tpu.memory_space<hbm>> -> memref<40x512xf32, #tpu.memory_space<hbm>>
    %dma_wait3A_592 = arith.constant 6280 : i32
    %dma_wait3A_593 = arith.constant 0 : i32
    %dma_wait3A_594 = tpu.memref_slice %arg4[%add3A, %dma_wait3A_592, %dma_wait3A_593] : memref<32x6400x512xf32, #tpu.memory_space<hbm>> -> memref<1x40x512xf32, #tpu.memory_space<hbm>>
    %dma_wait3A_595 = tpu.memref_squeeze %dma_wait3A_594 : memref<1x40x512xf32, #tpu.memory_space<hbm>> -> memref<40x512xf32, #tpu.memory_space<hbm>>
    %dma_wait3A_596 = arith.constant 0 : i32
    %dma_wait3A_597 = arith.constant 0 : i32
    %dma_wait3A_598 = tpu.memref_slice %arg6[%dma_wait3A_583, %dma_wait3A_596, %dma_wait3A_597] : memref<5x40x512xf32, #tpu.memory_space<vmem>> -> memref<1x40x512xf32, #tpu.memory_space<vmem>>
    %dma_wait3A_599 = tpu.memref_squeeze %dma_wait3A_598 : memref<1x40x512xf32, #tpu.memory_space<vmem>> -> memref<40x512xf32, #tpu.memory_space<vmem>>
    tpu.wait_dma2 semaphore(%arg14 : memref<!tpu.dma_semaphore, #tpu.memory_space<semaphore_mem>>) src(%dma_wait3A_599 : memref<40x512xf32, #tpu.memory_space<vmem>>) dst(%dma_wait3A_595 : memref<40x512xf32, #tpu.memory_space<hbm>>)
    %dma_wait3A_600 = arith.constant 3 : i32
    %dma_wait3A_601 = arith.constant 0 : i32
    %dma_wait3A_602 = arith.constant 0 : i32
    %dma_wait3A_603 = tpu.memref_slice %arg6[%dma_wait3A_600, %dma_wait3A_601, %dma_wait3A_602] : memref<5x40x512xf32, #tpu.memory_space<vmem>> -> memref<1x40x512xf32, #tpu.memory_space<vmem>>
    %dma_wait3A_604 = tpu.memref_squeeze %dma_wait3A_603 : memref<1x40x512xf32, #tpu.memory_space<vmem>> -> memref<40x512xf32, #tpu.memory_space<vmem>>
    %dma_wait3A_605 = arith.constant 6320 : i32
    %dma_wait3A_606 = arith.constant 0 : i32
    %dma_wait3A_607 = tpu.memref_slice %arg4[%add3A, %dma_wait3A_605, %dma_wait3A_606] : memref<32x6400x512xf32, #tpu.memory_space<hbm>> -> memref<1x40x512xf32, #tpu.memory_space<hbm>>
    %dma_wait3A_608 = tpu.memref_squeeze %dma_wait3A_607 : memref<1x40x512xf32, #tpu.memory_space<hbm>> -> memref<40x512xf32, #tpu.memory_space<hbm>>
    %dma_wait3A_609 = arith.constant 6320 : i32
    %dma_wait3A_610 = arith.constant 0 : i32
    %dma_wait3A_611 = tpu.memref_slice %arg4[%add3A, %dma_wait3A_609, %dma_wait3A_610] : memref<32x6400x512xf32, #tpu.memory_space<hbm>> -> memref<1x40x512xf32, #tpu.memory_space<hbm>>
    %dma_wait3A_612 = tpu.memref_squeeze %dma_wait3A_611 : memref<1x40x512xf32, #tpu.memory_space<hbm>> -> memref<40x512xf32, #tpu.memory_space<hbm>>
    %dma_wait3A_613 = arith.constant 0 : i32
    %dma_wait3A_614 = arith.constant 0 : i32
    %dma_wait3A_615 = tpu.memref_slice %arg6[%dma_wait3A_600, %dma_wait3A_613, %dma_wait3A_614] : memref<5x40x512xf32, #tpu.memory_space<vmem>> -> memref<1x40x512xf32, #tpu.memory_space<vmem>>
    %dma_wait3A_616 = tpu.memref_squeeze %dma_wait3A_615 : memref<1x40x512xf32, #tpu.memory_space<vmem>> -> memref<40x512xf32, #tpu.memory_space<vmem>>
    tpu.wait_dma2 semaphore(%arg15 : memref<!tpu.dma_semaphore, #tpu.memory_space<semaphore_mem>>) src(%dma_wait3A_616 : memref<40x512xf32, #tpu.memory_space<vmem>>) dst(%dma_wait3A_612 : memref<40x512xf32, #tpu.memory_space<hbm>>)
    %dma_wait3A_617 = arith.constant 4 : i32
    %dma_wait3A_618 = arith.constant 0 : i32
    %dma_wait3A_619 = arith.constant 0 : i32
    %dma_wait3A_620 = tpu.memref_slice %arg6[%dma_wait3A_617, %dma_wait3A_618, %dma_wait3A_619] : memref<5x40x512xf32, #tpu.memory_space<vmem>> -> memref<1x40x512xf32, #tpu.memory_space<vmem>>
    %dma_wait3A_621 = tpu.memref_squeeze %dma_wait3A_620 : memref<1x40x512xf32, #tpu.memory_space<vmem>> -> memref<40x512xf32, #tpu.memory_space<vmem>>
    %dma_wait3A_622 = arith.constant 6360 : i32
    %dma_wait3A_623 = arith.constant 0 : i32
    %dma_wait3A_624 = tpu.memref_slice %arg4[%add3A, %dma_wait3A_622, %dma_wait3A_623] : memref<32x6400x512xf32, #tpu.memory_space<hbm>> -> memref<1x40x512xf32, #tpu.memory_space<hbm>>
    %dma_wait3A_625 = tpu.memref_squeeze %dma_wait3A_624 : memref<1x40x512xf32, #tpu.memory_space<hbm>> -> memref<40x512xf32, #tpu.memory_space<hbm>>
    %dma_wait3A_626 = arith.constant 6360 : i32
    %dma_wait3A_627 = arith.constant 0 : i32
    %dma_wait3A_628 = tpu.memref_slice %arg4[%add3A, %dma_wait3A_626, %dma_wait3A_627] : memref<32x6400x512xf32, #tpu.memory_space<hbm>> -> memref<1x40x512xf32, #tpu.memory_space<hbm>>
    %dma_wait3A_629 = tpu.memref_squeeze %dma_wait3A_628 : memref<1x40x512xf32, #tpu.memory_space<hbm>> -> memref<40x512xf32, #tpu.memory_space<hbm>>
    %dma_wait3A_630 = arith.constant 0 : i32
    %dma_wait3A_631 = arith.constant 0 : i32
    %dma_wait3A_632 = tpu.memref_slice %arg6[%dma_wait3A_617, %dma_wait3A_630, %dma_wait3A_631] : memref<5x40x512xf32, #tpu.memory_space<vmem>> -> memref<1x40x512xf32, #tpu.memory_space<vmem>>
    %dma_wait3A_633 = tpu.memref_squeeze %dma_wait3A_632 : memref<1x40x512xf32, #tpu.memory_space<vmem>> -> memref<40x512xf32, #tpu.memory_space<vmem>>
    tpu.wait_dma2 semaphore(%arg16 : memref<!tpu.dma_semaphore, #tpu.memory_space<semaphore_mem>>) src(%dma_wait3A_633 : memref<40x512xf32, #tpu.memory_space<vmem>>) dst(%dma_wait3A_629 : memref<40x512xf32, #tpu.memory_space<hbm>>)
    return
  }
}

</mosaic_0001>

<sc_bundles>
// kernel: kernel.3.cloned.1.call-start
scs
__scs_entry_jumppad:
0x0: {  	(pc) =	sbr.rel $0x88, $3  }
0x1: {  	(tag) =	ssettag $0x0;
	lr =	simm.s32 $0x1  }
0x2: {  	[smem:$0x3F9F] =	sst lr;
	_ =	strace $0xD0000000  }
0x3: {  	_ = 	snop  }
0x4: {  	_ = 	snop  }
0x5: {  	_ = 	snop  }
0x6: {  	_ = 	snop  }
0x7: {  	_ = 	snop  }
__scs_overlays_trampoline_lowered:
0x8: {  	[smem:$0x3FAE] =	sst s0  }
0x9: {  	[smem:$0x3FAF] =	sst s1  }
0xa: {  	[smem:$0x3FB0] =	sst s2  }
0xb: {  	[smem:$0x3FB1] =	sst s3  }
0xc: {  	[smem:$0x3FB2] =	sst s4  }
0xd: {  	[smem:$0x3FB3] =	sst s5  }
0xe: {  	[smem:$0x3FB4] =	sst s6  }
0xf: {  	[smem:$0x3FB5] =	sst s7  }
0x10: {  	[smem:$0x3FB6] =	sst s8  }
0x11: {  	[smem:$0x3FB7] =	sst s9;
	s0 =	simm.s32 @!p0 $0x0  }
0x12: {  	s1 =	sld [smem:$0x3F9D];
	s0 =	simm.s32 @p0 $0x1  }
0x13: {  	[smem:$0x3FB8] =	sst s0;
	s0 =	simm.s32 @!p1 $0x0  }
0x14: {  	s2 =	sld [smem:$0x3F9C];
	s0 =	simm.s32 @p1 $0x1  }
0x15: {  	[smem:$0x3FB9] =	sst s0;
	s0 =	simm.s32 @!p2 $0x0  }
0x16: {  	s3 =	sld [smem:$0x3FDB];
	s0 =	simm.s32 @p2 $0x1  }
0x17: {  	s4 =	simm.s32 $0x1BF5;
	[smem:$0x3FBB] =	sst s0  }
0x18: {  	s0 =	sld [smem:$0x3F9E];
	_ =	swait.ge [sflag:s4], $0x0  }
0x19: {  	s7 =	sld [smem:$0x3F9F]  }
0x1a: {  	s8 =	sadd.s32 $0xFFFFE003, lr  }
0x1b: {  	s9 =	sadd.s32 $0xFFFFFEF7, lr;
	s5 =	simm.s32 $0xFFFFFFFF;
	p2 =	slt.u32 s8, $0xFFFFF086  }
0x1c: {  	p1 =	slt.u32 s9, $0xF7A;
	s5 =	simm.s32 @!p2 $0x0  }
0x1d: {  	s5 =	simm.s32 @p1 $0x1;
	p0 =	seq.s32 s7, s2  }
0x1e: {  	s7 =	smul.u32 @!p0 $0xF7A, s2;
	p2 =	seq.s32 @!p0 s5, $0x0  }
0x1f: {  	s9 =	smul.u32 $0xF7A, s1;
	s8 =	simm.s32 @!p0 $0x1BF5;
	p2 =	por !p2, p0  }
0x20: {  	[sflag:s8] =	ssyncset.s32 @!p0 $0xFFFFF086;
	s6 =	sadd.s32 @!p0 s3, s7;
	s7 =	simm.s32 @!p0 $0x108  }
0x21: {  	s3 =	sadd.s32 s3, s9;
	s6 =	sadd.s32 @!p0 $0x88, s6;
	s7 =	simm.s32 @p2 $0x1082  }
0x22: {  	[simem:s7], [sflag:s8] =	dma.local @!p0 [hbm:s6], $0xF7A  }
0x23: {  	s9 =	sor.u32 $0xD0000000, s2;
	s6 =	simm.s32 $0x108;
	_ =	swait.ge @!p0 [sflag:s8], $0x0  }
0x24: {  	s3 =	sadd.s32 $0x88, s3;
	s6 =	simm.s32 @!p1 $0x1082;
	[sflag:s4] =	ssyncset.s32 $0xFFFFF086  }
0x25: {  	[simem:s6], [sflag:s4] =	dma.local [hbm:s3], $0xF7A  }
0x26: {  	[smem:$0x3F9F] =	sst s1;
	(tag) =	ssettag s2;
	_ =	strace s9  }
0x27: {  	s1 =	sld [smem:$0x3FAF]  }
0x28: {  	s2 =	sld [smem:$0x3FB0]  }
0x29: {  	s4 =	sld [smem:$0x3FB2]  }
0x2a: {  	p0 =	seq.s32 s5, $0x0;
	s5 =	sld [smem:$0x3FB3]  }
0x2b: {  	s6 =	sld [smem:$0x3FB4]  }
0x2c: {  	s7 =	sld [smem:$0x3FB5]  }
0x2d: {  	s3 =	simm.s32 $0x108;
	s8 =	sld [smem:$0x3FB6]  }
0x2e: {  	s3 =	simm.s32 @!p0 $0x1082;
	s9 =	sld [smem:$0x3FB7]  }
0x2f: {  	lr =	sadd.s32 s0, s3;
	s0 =	sld [smem:$0x3FAE]  }
0x30: {  	s3 =	sld [smem:$0x3FB1]  }
0x31: {  	[smem:$0x3FBA] =	sst s10  }
0x32: {  	s10 =	sld [smem:$0x3FB8];
	_ =	sdelay $0x3  }
0x33: {  	p0 =	seq.s32 s10, $0x1;
	s10 =	sld [smem:$0x3FBA];
	_ =	sdelay $0x3  }
0x34: {  	[smem:$0x3FBA] =	sst s10  }
0x35: {  	s10 =	sld [smem:$0x3FB9];
	_ =	sdelay $0x3  }
0x36: {  	p1 =	seq.s32 s10, $0x1;
	s10 =	sld [smem:$0x3FBA];
	_ =	sdelay $0x3  }
0x37: {  	[smem:$0x3FBA] =	sst s10  }
0x38: {  	s10 =	sld [smem:$0x3FBB]  }
0x39: {  	_ = 	snop;
	(pc) =	sbr.ind lr, $3  }
0x3a: {  	_ = 	snop  }
0x3b: {  	_ = 	snop  }
0x3c: {  	p2 =	seq.s32 s10, $0x1;
	s10 =	sld [smem:$0x3FBA]  }
0x3d: {  	_ =	shalt  }
0x3e: {  	_ =	shalt  }
0x3f: {  	_ =	shalt  }
0x40: {  	_ =	shalt  }
0x41: {  	_ =	shalt  }
0x42: {  	_ =	shalt  }
0x43: {  	_ =	shalt  }
0x44: {  	_ =	shalt  }
0x45: {  	_ =	shalt  }
0x46: {  	_ =	shalt  }
0x47: {  	_ =	shalt  }
0x48: {  	_ =	shalt  }
0x49: {  	_ =	shalt  }
0x4a: {  	_ =	shalt  }
0x4b: {  	_ =	shalt  }
0x4c: {  	_ =	shalt  }
0x4d: {  	_ =	shalt  }
0x4e: {  	_ =	shalt  }
0x4f: {  	_ =	shalt  }
0x50: {  	_ =	shalt  }
0x51: {  	_ =	shalt  }
0x52: {  	_ =	shalt  }
0x53: {  	_ =	shalt  }
0x54: {  	_ =	shalt  }
0x55: {  	_ =	shalt  }
0x56: {  	_ =	shalt  }
0x57: {  	_ =	shalt  }
0x58: {  	_ =	shalt  }
0x59: {  	_ =	shalt  }
0x5a: {  	_ =	shalt  }
0x5b: {  	_ =	shalt  }
0x5c: {  	_ =	shalt  }
0x5d: {  	_ =	shalt  }
0x5e: {  	_ =	shalt  }
0x5f: {  	_ =	shalt  }
0x60: {  	_ =	shalt  }
0x61: {  	_ =	shalt  }
0x62: {  	_ =	shalt  }
0x63: {  	_ =	shalt  }
0x64: {  	_ =	shalt  }
0x65: {  	_ =	shalt  }
0x66: {  	_ =	shalt  }
0x67: {  	_ =	shalt  }
0x68: {  	_ =	shalt  }
0x69: {  	_ =	shalt  }
0x6a: {  	_ =	shalt  }
0x6b: {  	_ =	shalt  }
0x6c: {  	_ =	shalt  }
0x6d: {  	_ =	shalt  }
0x6e: {  	_ =	shalt  }
0x6f: {  	_ =	shalt  }
0x70: {  	_ =	shalt  }
0x71: {  	_ =	shalt  }
0x72: {  	_ =	shalt  }
0x73: {  	_ =	shalt  }
0x74: {  	_ =	shalt  }
0x75: {  	_ =	shalt  }
0x76: {  	_ =	shalt  }
0x77: {  	_ =	shalt  }
0x78: {  	_ =	shalt  }
0x79: {  	_ =	shalt  }
0x7a: {  	_ =	shalt  }
0x7b: {  	_ =	shalt  }
0x7c: {  	_ =	shalt  }
0x7d: {  	_ =	shalt  }
0x7e: {  	_ =	shalt  }
0x7f: {  	_ =	shalt  }
0x80: {  	_ =	shalt  }
0x81: {  	_ =	shalt  }
0x82: {  	_ =	shalt  }
0x83: {  	_ =	shalt  }
0x84: {  	_ =	shalt  }
0x85: {  	_ =	shalt  }
0x86: {  	_ =	shalt  }
0x87: {  	_ =	shalt  }
.Lfunc_end0:
.L_simem_size_0:
called_computation_lowered:
.L_overlay_start_0:
0x88: {  	s2 =	sld [smem:$0x3FD9]  }
0x89: {  	s3 =	sld [smem:$0x3FFE];
	_ =	sdelay $0x1  }
0x8a: {  	s1 =	srdreg.scid  }
0x8b: {  	s0 =	sand.u32 $0x1, s1  }
0x8c: {  	s17 =	sshll.u32 s0, $0xA;
	s2 =	sadd.s32 s3, s2  }
0x8d: {  	s2 =	sadd.s32 s2, s17  }
0x8e: {  	[smem:$0x3FC6] =	sst s2  }
0x8f: {  	_ = 	snop  }
0x90: {  	s2 =	sld [smem:$0x3FC8]  }
0x91: {  	s18 =	sld [smem:$0x3FD0];
	(tm) =	ssettm $0x1  }
0x92: {  	s4 =	sld [smem:$0x3FFB];
	_ =	sdelay $0x3  }
0x93: {  	_ =	strace s4  }
0x94: {  	s4 =	sld [smem:$0x3FFC];
	_ =	sdelay $0x3  }
0x95: {  	_ =	strace s4  }
0x96: {  	s4 =	sld [smem:$0x3FFD];
	_ =	sdelay $0x3  }
0x97: {  	_ =	strace s4  }
0x98: {  	_ =	strace $0x8FFFFFFF  }
0x99: {  	s19 =	sld [smem:$0x3FDB];
	_ =	sdelay $0x1  }
0x9a: {  	s5 =	simm.s32 $_scs_section_size  }
0x9b: {  	s6 =	simm.s32 $_size__tile_overlayer_lowered;
	s7 =	simm.s32 $_tile_overlayer_lowered  }
0x9c: {  	s22 =	simm.s32 $0x1BFF;
	s21 =	sshll.u32 s7, $0x1;
	s4 =	sadd.s32 s5, s19  }
0x9d: {  	s8 =	simm.s32 $0x0;
	s20 =	sshll.u32 s6, $0x1;
	s6 =	sadd.s32 s21, s4  }
0x9e: {  	[timem:s8], [sflag:s22] =	dma.local [hbm:s6], s20  }
0x9f: {  	_ =	swait.ge [sflag:s22], s20  }
0xa0: {  	s5 =	ssub.s32 $0x0, s20;
	[sflag:s22] =	ssyncset.done $0x0  }
0xa1: {  	[sflag:s22] =	ssyncadd.s32 s5;
	_ =	sdelay $0x1  }
0xa2: {  	s23 =	simm.s32 $0x1B8B  }
0xa3: {  	_ =	swait.ge [sflag:s23], $0x1  }
0xa4: {  	[sflag:s23] =	ssyncset.done $0x0  }
0xa5: {  	s25 =	simm.s32 $0x1B8E;
	s24 =	sld [smem:$0x3FFE];
	[sflag:s23] =	ssyncadd.s32 $0xFFFFFFFF  }
0xa6: {  	s26 =	simm.s32 $execute0_lowered;
	[smem:$0x3FD2] =	sst s25  }
0xa7: {  	s6 =	sshll.u32 s26, $0x1;
	_ =	strace $0x80000046;
	[dreg:$0x1] =	wrdreg $0xFFFFFFFF  }
0xa8: {  	s28 =	simm.s32 $_size_execute0_lowered;
	s4 =	sadd.s32 s4, s6;
	[dreg:$0x0] =	wrdreg $0x0  }
0xa9: {  	s6 =	sshll.u32 s28, $0x1;
	[dreg:$0x2] =	wrdreg s4  }
0xaa: {  	[dreg:$0x3] =	wrdreg s6  }
0xab: {  	[dreg:$0x4] =	wrdreg $0xC0  }
0xac: {  	_ =	task [dreg:s8], $0x5FFFF  }
0xad: {  	[dreg:$0x1] =	wrdreg $0xFFFFFFFF  }
0xae: {  	[dreg:$0x0] =	wrdreg $0x60  }
0xaf: {  	[dreg:$0x2] =	wrdreg s2  }
0xb0: {  	[dreg:$0x3] =	wrdreg s24  }
0xb1: {  	[dreg:$0x4] =	wrdreg s18  }
0xb2: {  	[dreg:$0x5] =	wrdreg $0x9  }
0xb3: {  	_ =	task.clear_ibuf [dreg:s8], $0x6FFFF;
	_ =	strace $0x90000046  }
0xb4: {  	s29 =	simm.s32 $0x9;
	_ =	strace $0x80000048  }
0xb5: {  	_ =	swait.ge [sflag:s29], $0x1  }
0xb6: {  	[sflag:s29] =	ssyncadd.s32 $0xFFFFFFFF  }
0xb7: {  	_ =	strace $0x90000048  }
0xb8: {  	_ =	sfence  }
0xb9: {  	s30 =	sld [smem:$0x0];
	_ =	sdelay $0x2  }
0xba: {  	s31 =	sshll.u32 s1, $0xD;
	s1 =	sshrl.u32 s1, $0x2  }
0xbb: {  	s3 =	sand.u32 $0x4000, s31;
	s1 =	sadd.s32 s1, s30  }
0xbc: {  	s0 =	sor.u32 s3, s0;
	s1 =	sshll.u32 s1, $0x11  }
0xbd: {  	s0 =	sor.u32 s1, s0  }
0xbe: {  	s0 =	sadd.s32 $0x8F2B, s0  }
0xbf: {  	[sflag:s0] =	ssyncadd.remote.s32 $0x1  }
0xc0: {  	_ =	sfence.sel $0xFFFF  }
0xc1: {  	[dreg:$0x0] =	wrdreg $0xFFFFFFFF;
	(pc) =	sbr.abs _section_cstart, $3  }
0xc2: {  	[dreg:$0x1] =	wrdreg $0xFFFFFFFF  }
0xc3: {  	_ =	task.clear_ibuf [dreg:s8], $0x2FFFF;
	_ =	strace $0x9FFFFFFF  }
0xc4: {  	(tm) =	ssettm $0x7FFFFFFF  }
0xc5: {  	_ =	shalt  }
tec
execute0_lowered:
.L_overlay_start_1:
0x0: {  	(tag) =	ssettag $0x1  }
0x1: {  	s1 =	rddreg [dreg:$0x0]  }
0x2: {  	s2 =	srdreg.scid;
	s9 =	stileid.u32  }
0x3: {  	s0 =	rddreg [dreg:$0x1];
	s2 =	sand.u32 $0x1, s2;
	s3 =	sshll.u32 s9, $0x1  }
0x4: {  	s4 =	rddreg [dreg:$0x2];
	s29 =	simm.s32 $0xC000;
	s5 =	sor.u32 s2, s3  }
0x5: {  	s31 =	simm.s32 $0xD000;
	s28 =	simm.s32 $0x9;
	s6 =	smul.u32 $0xA00, s5  }
0x6: {  	s3 =	simm.s32 $0x0;
	s7 =	ssub.s32 $0x2, s2;
	s5 =	smul.u32 $0x320000, s5  }
0x7: {  	[smem:$0x7FF] =	sst s3;
	s8 =	sshrl.u32 s7, $0x1;
	s0 =	sadd.s32 s6, s0  }
0x8: {  	s6 =	ssub.s32 s7, s8;
	s8 =	sshrl.u32 s5, $0x3;
	s0 =	sadd.s32 $0x400, s0  }
0x9: {  	_ =	strace $0x80000047;
	s10 =	sadd.s32 s4, s8;
	[dreg:$0x9] =	wrdreg s0  }
0xa: {  	s30 =	simm.s32 $0xA;
	s6 =	smax.u32 s6, $0x1;
	[dreg:$0xa] =	wrdreg s10  }
0xb: {  	s9 =	smul.u32 $0x640000, s9;
	s12 =	sadd.s32 $0xA00, s10;
	[dreg:$0x14] =	wrdreg s6  }
0xc: {  	s11 =	smul.u32 $0x320000, s2;
	s13 =	sadd.s32 $0x1400, s10;
	[dreg:$0xb] =	wrdreg s12  }
0xd: {  	s5 =	sadd.s32 $0x100, s1;
	s14 =	sadd.s32 $0x1E00, s10;
	[dreg:$0xc] =	wrdreg s13  }
0xe: {  	s15 =	sadd.s32 $0x2800, s10;
	s16 =	sadd.s32 $0x60E00, s10;
	[dreg:$0xd] =	wrdreg s14  }
0xf: {  	s0 =	sadd.s32 s11, s9;
	s17 =	sadd.s32 $0x61800, s10;
	[dreg:$0xe] =	wrdreg s15  }
0x10: {  	s18 =	sadd.s32 $0x62200, s10;
	s20 =	sadd.s32 $0x62C00, s10;
	[dreg:$0xf] =	wrdreg s16  }
0x11: {  	s8 =	sadd.s32 $0x63600, s10;
	s9 =	simm.s32 $0x6800;
	[dreg:$0x10] =	wrdreg s17  }
0x12: {  	s10 =	simm.s32 $0x7000;
	s6 =	simm.s32 $0x9800;
	[dreg:$0x11] =	wrdreg s18  }
0x13: {  	s11 =	simm.s32 $0x1;
	s19 =	sadd.s32 $0x23000, s0;
	[dreg:$0x12] =	wrdreg s20  }
0x14: {  	s21 =	sadd.s32 $0x28000, s0;
	[dreg:$0x13] =	wrdreg s8;
	s23 =	sadd.s32 $0x2D000, s0  }
0x15: {  	s25 =	sor.u32 $0x19000, s0;
	s0 =	sor.u32 $0x1E000, s0;
	s13 =	simm.s32 $0x7800  }
0x16: {  	s14 =	simm.s32 $0x8000;
	s15 =	simm.s32 $0x8800;
	s16 =	simm.s32 $0x9000  }
0x17: {  	s17 =	simm.s32 $0xA800;
	s18 =	simm.s32 $0xC800;
	s8 =	simm.s32 $0xE800  }
0x18: {  	s20 =	simm.s32 $0x4;
	s12 =	simm.s32 $0x0;
	s2 =	sshrl.u32 s19, $0x3  }
0x19: {  	s7 =	sshrl.u32 s21, $0x3;
	s24 =	sshrl.u32 s23, $0x3;
	s0 =	sshrl.u32 s0, $0x3  }
0x1a: {  	s19 =	simm.s32 $0xB000;
	s23 =	simm.s32 $0xB800;
	s21 =	simm.s32 $0x6  }
0x1b: {  	s2 =	sadd.s32 s2, s4;
	s22 =	sadd.s32 s7, s4;
	s7 =	sshrl.u32 s25, $0x3  }
0x1c: {  	s0 =	sadd.s32 s0, s4;
	s25 =	simm.s32 $0x7;
	[dreg:$0x4] =	wrdreg s2  }
0x1d: {  	[dreg:$0x5] =	wrdreg s22;
	s2 =	sadd.s32 s24, s4;
	s26 =	sadd.s32 s7, s4  }
0x1e: {  	v2 =	vlaneseq.u32;
	[dreg:$0x8] =	wrdreg s0;
	s4 =	simm.s32 $0x6000;
	s22 =	simm.s32 $0x2  }
0x1f: {  	vm0 =	vmmov $0xffff;
	v1 =	vshrl.u32 v2, $0x3;
	s7 =	simm.s32 $0x3;
	s24 =	simm.s32 $0x5;
	[dreg:$0x6] =	wrdreg s2  }
0x20: {  	v0 =	vand.u32 $0x7, v2;
	v2 =	vor.u32 $0x8, v2;
	v1 =	vmul.u32 $0x8, v1;
	[dreg:$0x7] =	wrdreg s26;
	s2 =	simm.s32 $0x5800;
	s26 =	simm.s32 $0x8  }
.LBB2_1:
0x21: {  	[dreg:$0x15] =	wrdreg s12  }
0x22: {  	s0 =	rddreg [dreg:$0x9];
	s12 =	simm.s32 $0xB  }
0x23: {  	[tilespmem:s3], [sflag:$0xB] =	stream.linear.gather [hbm4b:s0+s3], $0x5000, $0x38;
	[tilespmem:$0x1E000] =	vst v63  }
0x24: {  	_ =	swait.ge [sflag:s12], $0x5000  }
0x25: {  	[sflag:s12] =	ssyncset.done $0x0  }
0x26: {  	[sflag:s12] =	ssyncadd.s32 $0xFFFFB000  }
0x27: {  	v3 =	vld [tilespmem:$0x0];
	_ =	sdelay $0x4  }
0x28: {  	v4 =	vshll.u32 v3, $0x2  }
0x29: {  	v3 =	vand.u32 $0x7, v3;
	v4 =	vand.u32 $0xFFFFFFE0, v4  }
0x2a: {  	v3 =	vor.u32 v3, v4  }
0x2b: {  	v4 =	vperm.xlane v3, v0;
	_ =	sdelay $0x1  }
0x2c: {  	v4 =	vadd.s32 v1, v4;
	_ =	sdelay $0x1  }
0x2d: {  	v3 =	vperm.xlane v3, v2;
	_ =	sdelay $0x1  }
0x2e: {  	s12 =	simm.s32 $0x5000;
	v3 =	vadd.s32 v1, v3  }
0x2f: {  	[tilespmem:s12], [sflag:$0x1] =	stream.indirect_vreg.gather [hbm4b:s1+s3], $0x80, v4, vm0, $0xb8;
	[tilespmem:$0x1E000] =	vst v63  }
0x30: {  	_ = 	snop  }
0x31: {  	[tilespmem:s2], [sflag:$0x1] =	stream.indirect_vreg.gather [hbm4b:s5+s3], $0x80, v4, vm0, $0xb8;
	[tilespmem:$0x1E000] =	vst v63  }
0x32: {  	_ = 	snop  }
0x33: {  	[tilespmem:s4], [sflag:$0x1] =	stream.indirect_vreg.gather [hbm4b:s1+s3], $0x80, v3, vm0, $0xb8;
	[tilespmem:$0x1E000] =	vst v63  }
0x34: {  	_ = 	snop  }
0x35: {  	[tilespmem:s9], [sflag:$0x1] =	stream.indirect_vreg.gather [hbm4b:s5+s3], $0x80, v3, vm0, $0xb8;
	[tilespmem:$0x1E000] =	vst v63  }
0x36: {  	v3 =	vld [tilespmem:$0x10];
	_ =	sdelay $0x4  }
0x37: {  	v44 =	vshll.u32 v3, $0x2  }
0x38: {  	v3 =	vand.u32 $0x7, v3;
	v4 =	vand.u32 $0xFFFFFFE0, v44  }
0x39: {  	v3 =	vor.u32 v3, v4  }
0x3a: {  	v4 =	vperm.xlane v3, v0;
	_ =	sdelay $0x1  }
0x3b: {  	v4 =	vadd.s32 v1, v4;
	_ =	sdelay $0x1  }
0x3c: {  	v3 =	vperm.xlane v3, v2;
	_ =	sdelay $0x1  }
0x3d: {  	v3 =	vadd.s32 v1, v3  }
0x3e: {  	[tilespmem:s10], [sflag:$0x1] =	stream.indirect_vreg.gather [hbm4b:s1+s3], $0x80, v4, vm0, $0xb8;
	[tilespmem:$0x1E000] =	vst v63  }
0x3f: {  	_ = 	snop  }
0x40: {  	[tilespmem:s13], [sflag:$0x1] =	stream.indirect_vreg.gather [hbm4b:s5+s3], $0x80, v4, vm0, $0xb8;
	[tilespmem:$0x1E000] =	vst v63  }
0x41: {  	_ = 	snop  }
0x42: {  	[tilespmem:s14], [sflag:$0x1] =	stream.indirect_vreg.gather [hbm4b:s1+s3], $0x80, v3, vm0, $0xb8;
	[tilespmem:$0x1E000] =	vst v63  }
0x43: {  	_ = 	snop  }
0x44: {  	[tilespmem:s15], [sflag:$0x1] =	stream.indirect_vreg.gather [hbm4b:s5+s3], $0x80, v3, vm0, $0xb8;
	[tilespmem:$0x1E000] =	vst v63  }
0x45: {  	v3 =	vld.msk [tilespmem:$0x20], $0xff;
	_ =	sdelay $0x4  }
0x46: {  	v45 =	vshll.u32 v3, $0x2  }
0x47: {  	v3 =	vand.u32 $0x7, v3;
	v4 =	vand.u32 $0xFFFFFFE0, v45  }
0x48: {  	v3 =	vor.u32 v3, v4  }
0x49: {  	v3 =	vperm.xlane v3, v0;
	_ =	sdelay $0x1  }
0x4a: {  	v3 =	vadd.s32 v1, v3;
	_ =	sdelay $0x4  }
0x4b: {  	[tilespmem:s16], [sflag:$0x1] =	stream.indirect_vreg.gather [hbm4b:s1+s3], $0x80, v3, vm0, $0xb8;
	[tilespmem:$0x1E000] =	vst v63  }
0x4c: {  	_ = 	snop  }
0x4d: {  	[tilespmem:s6], [sflag:$0x1] =	stream.indirect_vreg.gather [hbm4b:s5+s3], $0x80, v3, vm0, $0xb8;
	[tilespmem:$0x1E000] =	vst v63  }
0x4e: {  	v3 =	vld [tilespmem:$0x80];
	_ =	sdelay $0x4  }
0x4f: {  	v46 =	vshll.u32 v3, $0x2  }
0x50: {  	v3 =	vand.u32 $0x7, v3;
	v4 =	vand.u32 $0xFFFFFFE0, v46  }
0x51: {  	v3 =	vor.u32 v3, v4  }
0x52: {  	v4 =	vperm.xlane v3, v0;
	_ =	sdelay $0x1  }
0x53: {  	v4 =	vadd.s32 v1, v4;
	_ =	sdelay $0x1  }
0x54: {  	v3 =	vperm.xlane v3, v2;
	_ =	sdelay $0x1  }
0x55: {  	s0 =	simm.s32 $0xA000;
	v3 =	vadd.s32 v1, v3  }
0x56: {  	[tilespmem:s0], [sflag:$0x2] =	stream.indirect_vreg.gather [hbm4b:s1+s3], $0x80, v4, vm0, $0xb8;
	[tilespmem:$0x1E000] =	vst v63  }
0x57: {  	_ = 	snop  }
0x58: {  	[tilespmem:s17], [sflag:$0x2] =	stream.indirect_vreg.gather [hbm4b:s5+s3], $0x80, v4, vm0, $0xb8;
	[tilespmem:$0x1E000] =	vst v63  }
0x59: {  	_ = 	snop  }
0x5a: {  	[tilespmem:s19], [sflag:$0x2] =	stream.indirect_vreg.gather [hbm4b:s1+s3], $0x80, v3, vm0, $0xb8;
	[tilespmem:$0x1E000] =	vst v63  }
0x5b: {  	_ = 	snop  }
0x5c: {  	[tilespmem:s23], [sflag:$0x2] =	stream.indirect_vreg.gather [hbm4b:s5+s3], $0x80, v3, vm0, $0xb8;
	[tilespmem:$0x1E000] =	vst v63  }
0x5d: {  	v3 =	vld [tilespmem:$0x90];
	_ =	sdelay $0x4  }
0x5e: {  	v47 =	vshll.u32 v3, $0x2  }
0x5f: {  	v3 =	vand.u32 $0x7, v3;
	v4 =	vand.u32 $0xFFFFFFE0, v47  }
0x60: {  	v3 =	vor.u32 v3, v4  }
0x61: {  	v4 =	vperm.xlane v3, v0;
	_ =	sdelay $0x1  }
0x62: {  	v4 =	vadd.s32 v1, v4;
	_ =	sdelay $0x1  }
0x63: {  	v3 =	vperm.xlane v3, v2;
	_ =	sdelay $0x1  }
0x64: {  	v3 =	vadd.s32 v1, v3  }
0x65: {  	[tilespmem:s29], [sflag:$0x2] =	stream.indirect_vreg.gather [hbm4b:s1+s3], $0x80, v4, vm0, $0xb8;
	[tilespmem:$0x1E000] =	vst v63  }
0x66: {  	_ = 	snop  }
0x67: {  	[tilespmem:s18], [sflag:$0x2] =	stream.indirect_vreg.gather [hbm4b:s5+s3], $0x80, v4, vm0, $0xb8;
	[tilespmem:$0x1E000] =	vst v63  }
0x68: {  	_ = 	snop  }
0x69: {  	[tilespmem:s31], [sflag:$0x2] =	stream.indirect_vreg.gather [hbm4b:s1+s3], $0x80, v3, vm0, $0xb8;
	[tilespmem:$0x1E000] =	vst v63  }
0x6a: {  	s0 =	simm.s32 $0xD800  }
0x6b: {  	[tilespmem:s0], [sflag:$0x2] =	stream.indirect_vreg.gather [hbm4b:s5+s3], $0x80, v3, vm0, $0xb8;
	[tilespmem:$0x1E000] =	vst v63  }
0x6c: {  	v3 =	vld.msk [tilespmem:$0xA0], $0xff;
	_ =	sdelay $0x4  }
0x6d: {  	v48 =	vshll.u32 v3, $0x2  }
0x6e: {  	v3 =	vand.u32 $0x7, v3;
	v4 =	vand.u32 $0xFFFFFFE0, v48  }
0x6f: {  	v3 =	vor.u32 v3, v4  }
0x70: {  	v3 =	vperm.xlane v3, v0;
	_ =	sdelay $0x1  }
0x71: {  	v3 =	vadd.s32 v1, v3;
	_ =	sdelay $0x3  }
0x72: {  	s0 =	simm.s32 $0xE000  }
0x73: {  	[tilespmem:s0], [sflag:$0x2] =	stream.indirect_vreg.gather [hbm4b:s1+s3], $0x80, v3, vm0, $0xb8;
	[tilespmem:$0x1E000] =	vst v63  }
0x74: {  	_ = 	snop  }
0x75: {  	[tilespmem:s8], [sflag:$0x2] =	stream.indirect_vreg.gather [hbm4b:s5+s3], $0x80, v3, vm0, $0xb8;
	[tilespmem:$0x1E000] =	vst v63  }
0x76: {  	_ =	swait.ge [sflag:s11], $0x5000  }
0x77: {  	[sflag:s11] =	ssyncset.done $0x0  }
0x78: {  	s12 =	simm.s32 $0x5000;
	s8 =	rddreg [dreg:$0xa];
	[sflag:s11] =	ssyncadd.s32 $0xFFFFB000  }
0x79: {  	[hbm4b:s8+s3] =	stream.linear.scatter [tilespmem:s12], [sflag:$0x6], $0x5000, $0x38;
	[tilespmem:$0x1E000] =	vst v63  }
0x7a: {  	v3 =	vld [tilespmem:$0x100];
	_ =	sdelay $0x4  }
0x7b: {  	v49 =	vshll.u32 v3, $0x2  }
0x7c: {  	v3 =	vand.u32 $0x7, v3;
	v4 =	vand.u32 $0xFFFFFFE0, v49  }
0x7d: {  	v3 =	vor.u32 v3, v4  }
0x7e: {  	v4 =	vperm.xlane v3, v0;
	_ =	sdelay $0x1  }
0x7f: {  	v4 =	vadd.s32 v1, v4;
	_ =	sdelay $0x1  }
0x80: {  	v3 =	vperm.xlane v3, v2;
	_ =	sdelay $0x1  }
0x81: {  	s8 =	simm.s32 $0xF000;
	v3 =	vadd.s32 v1, v3  }
0x82: {  	[tilespmem:s8], [sflag:$0x3] =	stream.indirect_vreg.gather [hbm4b:s1+s3], $0x80, v4, vm0, $0xb8;
	[tilespmem:$0x1E000] =	vst v63  }
0x83: {  	s12 =	simm.s32 $0xF800  }
0x84: {  	[tilespmem:s12], [sflag:$0x3] =	stream.indirect_vreg.gather [hbm4b:s5+s3], $0x80, v4, vm0, $0xb8;
	[tilespmem:$0x1E000] =	vst v63  }
0x85: {  	s12 =	simm.s32 $0x10000  }
0x86: {  	[tilespmem:s12], [sflag:$0x3] =	stream.indirect_vreg.gather [hbm4b:s1+s3], $0x80, v3, vm0, $0xb8;
	[tilespmem:$0x1E000] =	vst v63  }
0x87: {  	s12 =	simm.s32 $0x10800  }
0x88: {  	[tilespmem:s12], [sflag:$0x3] =	stream.indirect_vreg.gather [hbm4b:s5+s3], $0x80, v3, vm0, $0xb8;
	[tilespmem:$0x1E000] =	vst v63  }
0x89: {  	v3 =	vld [tilespmem:$0x110];
	_ =	sdelay $0x4  }
0x8a: {  	v50 =	vshll.u32 v3, $0x2  }
0x8b: {  	v3 =	vand.u32 $0x7, v3;
	v4 =	vand.u32 $0xFFFFFFE0, v50  }
0x8c: {  	v3 =	vor.u32 v3, v4  }
0x8d: {  	v4 =	vperm.xlane v3, v0;
	_ =	sdelay $0x1  }
0x8e: {  	v4 =	vadd.s32 v1, v4;
	_ =	sdelay $0x1  }
0x8f: {  	v3 =	vperm.xlane v3, v2;
	_ =	sdelay $0x1  }
0x90: {  	s12 =	simm.s32 $0x11000;
	v3 =	vadd.s32 v1, v3  }
0x91: {  	[tilespmem:s12], [sflag:$0x3] =	stream.indirect_vreg.gather [hbm4b:s1+s3], $0x80, v4, vm0, $0xb8;
	[tilespmem:$0x1E000] =	vst v63  }
0x92: {  	s12 =	simm.s32 $0x11800  }
0x93: {  	[tilespmem:s12], [sflag:$0x3] =	stream.indirect_vreg.gather [hbm4b:s5+s3], $0x80, v4, vm0, $0xb8;
	[tilespmem:$0x1E000] =	vst v63  }
0x94: {  	s12 =	simm.s32 $0x12000  }
0x95: {  	[tilespmem:s12], [sflag:$0x3] =	stream.indirect_vreg.gather [hbm4b:s1+s3], $0x80, v3, vm0, $0xb8;
	[tilespmem:$0x1E000] =	vst v63  }
0x96: {  	s12 =	simm.s32 $0x12800  }
0x97: {  	[tilespmem:s12], [sflag:$0x3] =	stream.indirect_vreg.gather [hbm4b:s5+s3], $0x80, v3, vm0, $0xb8;
	[tilespmem:$0x1E000] =	vst v63  }
0x98: {  	v3 =	vld.msk [tilespmem:$0x120], $0xff;
	_ =	sdelay $0x4  }
0x99: {  	v51 =	vshll.u32 v3, $0x2  }
0x9a: {  	v3 =	vand.u32 $0x7, v3;
	v4 =	vand.u32 $0xFFFFFFE0, v51  }
0x9b: {  	v3 =	vor.u32 v3, v4  }
0x9c: {  	v3 =	vperm.xlane v3, v0;
	_ =	sdelay $0x1  }
0x9d: {  	v3 =	vadd.s32 v1, v3;
	_ =	sdelay $0x3  }
0x9e: {  	s12 =	simm.s32 $0x13000  }
0x9f: {  	[tilespmem:s12], [sflag:$0x3] =	stream.indirect_vreg.gather [hbm4b:s1+s3], $0x80, v3, vm0, $0xb8;
	[tilespmem:$0x1E000] =	vst v63  }
0xa0: {  	s12 =	simm.s32 $0x13800  }
0xa1: {  	[tilespmem:s12], [sflag:$0x3] =	stream.indirect_vreg.gather [hbm4b:s5+s3], $0x80, v3, vm0, $0xb8;
	[tilespmem:$0x1E000] =	vst v63  }
0xa2: {  	_ =	swait.ge [sflag:s22], $0x5000  }
0xa3: {  	[sflag:s22] =	ssyncset.done $0x0  }
0xa4: {  	s12 =	simm.s32 $0xA000;
	s0 =	rddreg [dreg:$0xb];
	[sflag:s22] =	ssyncadd.s32 $0xFFFFB000  }
0xa5: {  	[hbm4b:s0+s3] =	stream.linear.scatter [tilespmem:s12], [sflag:$0x7], $0x5000, $0x38;
	[tilespmem:$0x1E000] =	vst v63  }
0xa6: {  	v3 =	vld [tilespmem:$0x180];
	_ =	sdelay $0x4  }
0xa7: {  	v52 =	vshll.u32 v3, $0x2  }
0xa8: {  	v3 =	vand.u32 $0x7, v3;
	v4 =	vand.u32 $0xFFFFFFE0, v52  }
0xa9: {  	v3 =	vor.u32 v3, v4  }
0xaa: {  	v4 =	vperm.xlane v3, v0;
	_ =	sdelay $0x1  }
0xab: {  	v4 =	vadd.s32 v1, v4;
	_ =	sdelay $0x1  }
0xac: {  	v3 =	vperm.xlane v3, v2;
	_ =	sdelay $0x1  }
0xad: {  	s12 =	simm.s32 $0x14000;
	v3 =	vadd.s32 v1, v3  }
0xae: {  	[tilespmem:s12], [sflag:$0x4] =	stream.indirect_vreg.gather [hbm4b:s1+s3], $0x80, v4, vm0, $0xb8;
	[tilespmem:$0x1E000] =	vst v63  }
0xaf: {  	s0 =	simm.s32 $0x14800  }
0xb0: {  	[tilespmem:s0], [sflag:$0x4] =	stream.indirect_vreg.gather [hbm4b:s5+s3], $0x80, v4, vm0, $0xb8;
	[tilespmem:$0x1E000] =	vst v63  }
0xb1: {  	s0 =	simm.s32 $0x15000  }
0xb2: {  	[tilespmem:s0], [sflag:$0x4] =	stream.indirect_vreg.gather [hbm4b:s1+s3], $0x80, v3, vm0, $0xb8;
	[tilespmem:$0x1E000] =	vst v63  }
0xb3: {  	s0 =	simm.s32 $0x15800  }
0xb4: {  	[tilespmem:s0], [sflag:$0x4] =	stream.indirect_vreg.gather [hbm4b:s5+s3], $0x80, v3, vm0, $0xb8;
	[tilespmem:$0x1E000] =	vst v63  }
0xb5: {  	v3 =	vld [tilespmem:$0x190];
	_ =	sdelay $0x4  }
0xb6: {  	v53 =	vshll.u32 v3, $0x2  }
0xb7: {  	v3 =	vand.u32 $0x7, v3;
	v4 =	vand.u32 $0xFFFFFFE0, v53  }
0xb8: {  	v3 =	vor.u32 v3, v4  }
0xb9: {  	v4 =	vperm.xlane v3, v0;
	_ =	sdelay $0x1  }
0xba: {  	v4 =	vadd.s32 v1, v4;
	_ =	sdelay $0x1  }
0xbb: {  	v3 =	vperm.xlane v3, v2;
	_ =	sdelay $0x1  }
0xbc: {  	s0 =	simm.s32 $0x16000;
	v3 =	vadd.s32 v1, v3  }
0xbd: {  	[tilespmem:s0], [sflag:$0x4] =	stream.indirect_vreg.gather [hbm4b:s1+s3], $0x80, v4, vm0, $0xb8;
	[tilespmem:$0x1E000] =	vst v63  }
0xbe: {  	s0 =	simm.s32 $0x16800  }
0xbf: {  	[tilespmem:s0], [sflag:$0x4] =	stream.indirect_vreg.gather [hbm4b:s5+s3], $0x80, v4, vm0, $0xb8;
	[tilespmem:$0x1E000] =	vst v63  }
0xc0: {  	s0 =	simm.s32 $0x17000  }
0xc1: {  	[tilespmem:s0], [sflag:$0x4] =	stream.indirect_vreg.gather [hbm4b:s1+s3], $0x80, v3, vm0, $0xb8;
	[tilespmem:$0x1E000] =	vst v63  }
0xc2: {  	s0 =	simm.s32 $0x17800  }
0xc3: {  	[tilespmem:s0], [sflag:$0x4] =	stream.indirect_vreg.gather [hbm4b:s5+s3], $0x80, v3, vm0, $0xb8;
	[tilespmem:$0x1E000] =	vst v63  }
0xc4: {  	v3 =	vld.msk [tilespmem:$0x1A0], $0xff;
	_ =	sdelay $0x4  }
0xc5: {  	v54 =	vshll.u32 v3, $0x2  }
0xc6: {  	v3 =	vand.u32 $0x7, v3;
	v4 =	vand.u32 $0xFFFFFFE0, v54  }
0xc7: {  	v3 =	vor.u32 v3, v4  }
0xc8: {  	v3 =	vperm.xlane v3, v0;
	_ =	sdelay $0x1  }
0xc9: {  	v3 =	vadd.s32 v1, v3;
	_ =	sdelay $0x3  }
0xca: {  	s0 =	simm.s32 $0x18000  }
0xcb: {  	[tilespmem:s0], [sflag:$0x4] =	stream.indirect_vreg.gather [hbm4b:s1+s3], $0x80, v3, vm0, $0xb8;
	[tilespmem:$0x1E000] =	vst v63  }
0xcc: {  	s0 =	simm.s32 $0x18800  }
0xcd: {  	[tilespmem:s0], [sflag:$0x4] =	stream.indirect_vreg.gather [hbm4b:s5+s3], $0x80, v3, vm0, $0xb8;
	[tilespmem:$0x1E000] =	vst v63  }
0xce: {  	_ =	swait.ge [sflag:s7], $0x5000  }
0xcf: {  	[sflag:s7] =	ssyncset.done $0x0  }
0xd0: {  	s0 =	rddreg [dreg:$0xc];
	[sflag:s7] =	ssyncadd.s32 $0xFFFFB000  }
0xd1: {  	[hbm4b:s0+s3] =	stream.linear.scatter [tilespmem:s8], [sflag:$0x8], $0x5000, $0x38;
	[tilespmem:$0x1E000] =	vst v63  }
0xd2: {  	v3 =	vld [tilespmem:$0x200];
	_ =	sdelay $0x4  }
0xd3: {  	v55 =	vshll.u32 v3, $0x2  }
0xd4: {  	v3 =	vand.u32 $0x7, v3;
	v4 =	vand.u32 $0xFFFFFFE0, v55  }
0xd5: {  	v3 =	vor.u32 v3, v4  }
0xd6: {  	v4 =	vperm.xlane v3, v0;
	_ =	sdelay $0x1  }
0xd7: {  	v4 =	vadd.s32 v1, v4;
	_ =	sdelay $0x1  }
0xd8: {  	v3 =	vperm.xlane v3, v2;
	_ =	sdelay $0x1  }
0xd9: {  	s8 =	simm.s32 $0x19000;
	v3 =	vadd.s32 v1, v3  }
0xda: {  	[tilespmem:s8], [sflag:$0x5] =	stream.indirect_vreg.gather [hbm4b:s1+s3], $0x80, v4, vm0, $0xb8;
	[tilespmem:$0x1E000] =	vst v63  }
0xdb: {  	s0 =	simm.s32 $0x19800  }
0xdc: {  	[tilespmem:s0], [sflag:$0x5] =	stream.indirect_vreg.gather [hbm4b:s5+s3], $0x80, v4, vm0, $0xb8;
	[tilespmem:$0x1E000] =	vst v63  }
0xdd: {  	s0 =	simm.s32 $0x1A000  }
0xde: {  	[tilespmem:s0], [sflag:$0x5] =	stream.indirect_vreg.gather [hbm4b:s1+s3], $0x80, v3, vm0, $0xb8;
	[tilespmem:$0x1E000] =	vst v63  }
0xdf: {  	s0 =	simm.s32 $0x1A800  }
0xe0: {  	[tilespmem:s0], [sflag:$0x5] =	stream.indirect_vreg.gather [hbm4b:s5+s3], $0x80, v3, vm0, $0xb8;
	[tilespmem:$0x1E000] =	vst v63  }
0xe1: {  	v3 =	vld [tilespmem:$0x210];
	_ =	sdelay $0x4  }
0xe2: {  	v56 =	vshll.u32 v3, $0x2  }
0xe3: {  	v3 =	vand.u32 $0x7, v3;
	v4 =	vand.u32 $0xFFFFFFE0, v56  }
0xe4: {  	v3 =	vor.u32 v3, v4  }
0xe5: {  	v4 =	vperm.xlane v3, v0;
	_ =	sdelay $0x1  }
0xe6: {  	v4 =	vadd.s32 v1, v4;
	_ =	sdelay $0x1  }
0xe7: {  	v3 =	vperm.xlane v3, v2;
	_ =	sdelay $0x1  }
0xe8: {  	s0 =	simm.s32 $0x1B000;
	v3 =	vadd.s32 v1, v3  }
0xe9: {  	[tilespmem:s0], [sflag:$0x5] =	stream.indirect_vreg.gather [hbm4b:s1+s3], $0x80, v4, vm0, $0xb8;
	[tilespmem:$0x1E000] =	vst v63  }
0xea: {  	s0 =	simm.s32 $0x1B800  }
0xeb: {  	[tilespmem:s0], [sflag:$0x5] =	stream.indirect_vreg.gather [hbm4b:s5+s3], $0x80, v4, vm0, $0xb8;
	[tilespmem:$0x1E000] =	vst v63  }
0xec: {  	s0 =	simm.s32 $0x1C000  }
0xed: {  	[tilespmem:s0], [sflag:$0x5] =	stream.indirect_vreg.gather [hbm4b:s1+s3], $0x80, v3, vm0, $0xb8;
	[tilespmem:$0x1E000] =	vst v63  }
0xee: {  	s0 =	simm.s32 $0x1C800  }
0xef: {  	[tilespmem:s0], [sflag:$0x5] =	stream.indirect_vreg.gather [hbm4b:s5+s3], $0x80, v3, vm0, $0xb8;
	[tilespmem:$0x1E000] =	vst v63  }
0xf0: {  	v3 =	vld.msk [tilespmem:$0x220], $0xff;
	_ =	sdelay $0x4  }
0xf1: {  	v57 =	vshll.u32 v3, $0x2  }
0xf2: {  	v3 =	vand.u32 $0x7, v3;
	v4 =	vand.u32 $0xFFFFFFE0, v57  }
0xf3: {  	v3 =	vor.u32 v3, v4  }
0xf4: {  	v3 =	vperm.xlane v3, v0;
	_ =	sdelay $0x1  }
0xf5: {  	v3 =	vadd.s32 v1, v3;
	_ =	sdelay $0x3  }
0xf6: {  	s0 =	simm.s32 $0x1D000  }
0xf7: {  	[tilespmem:s0], [sflag:$0x5] =	stream.indirect_vreg.gather [hbm4b:s1+s3], $0x80, v3, vm0, $0xb8;
	[tilespmem:$0x1E000] =	vst v63  }
0xf8: {  	s0 =	simm.s32 $0x1D800  }
0xf9: {  	[tilespmem:s0], [sflag:$0x5] =	stream.indirect_vreg.gather [hbm4b:s5+s3], $0x80, v3, vm0, $0xb8;
	[tilespmem:$0x1E000] =	vst v63  }
0xfa: {  	_ =	swait.ge [sflag:s20], $0x5000  }
0xfb: {  	[sflag:s20] =	ssyncset.done $0x0  }
0xfc: {  	s0 =	rddreg [dreg:$0xd];
	[sflag:s20] =	ssyncadd.s32 $0xFFFFB000  }
0xfd: {  	[hbm4b:s0+s3] =	stream.linear.scatter [tilespmem:s12], [sflag:$0x9], $0x5000, $0x38;
	[tilespmem:$0x1E000] =	vst v63  }
0xfe: {  	_ =	swait.ge [sflag:s21], $0x5000  }
0xff: {  	[sflag:s21] =	ssyncset.done $0x0  }
0x100: {  	[sflag:s21] =	ssyncadd.s32 $0xFFFFB000  }
0x101: {  	v3 =	vld [tilespmem:$0x280];
	_ =	sdelay $0x4  }
0x102: {  	v58 =	vshll.u32 v3, $0x2  }
0x103: {  	v3 =	vand.u32 $0x7, v3;
	v4 =	vand.u32 $0xFFFFFFE0, v58  }
0x104: {  	v3 =	vor.u32 v3, v4  }
0x105: {  	v4 =	vperm.xlane v3, v0;
	_ =	sdelay $0x1  }
0x106: {  	v4 =	vadd.s32 v1, v4;
	_ =	sdelay $0x1  }
0x107: {  	v3 =	vperm.xlane v3, v2;
	_ =	sdelay $0x1  }
0x108: {  	s12 =	simm.s32 $0x5000;
	v3 =	vadd.s32 v1, v3  }
0x109: {  	[tilespmem:s12], [sflag:$0x1] =	stream.indirect_vreg.gather [hbm4b:s1+s3], $0x80, v4, vm0, $0xb8;
	[tilespmem:$0x1E000] =	vst v63  }
0x10a: {  	_ = 	snop  }
0x10b: {  	[tilespmem:s2], [sflag:$0x1] =	stream.indirect_vreg.gather [hbm4b:s5+s3], $0x80, v4, vm0, $0xb8;
	[tilespmem:$0x1E000] =	vst v63  }
0x10c: {  	_ = 	snop  }
0x10d: {  	[tilespmem:s4], [sflag:$0x1] =	stream.indirect_vreg.gather [hbm4b:s1+s3], $0x80, v3, vm0, $0xb8;
	[tilespmem:$0x1E000] =	vst v63  }
0x10e: {  	_ = 	snop  }
0x10f: {  	[tilespmem:s9], [sflag:$0x1] =	stream.indirect_vreg.gather [hbm4b:s5+s3], $0x80, v3, vm0, $0xb8;
	[tilespmem:$0x1E000] =	vst v63  }
0x110: {  	v3 =	vld [tilespmem:$0x290];
	_ =	sdelay $0x4  }
0x111: {  	v59 =	vshll.u32 v3, $0x2  }
0x112: {  	v3 =	vand.u32 $0x7, v3;
	v4 =	vand.u32 $0xFFFFFFE0, v59  }
0x113: {  	v3 =	vor.u32 v3, v4  }
0x114: {  	v4 =	vperm.xlane v3, v0;
	_ =	sdelay $0x1  }
0x115: {  	v4 =	vadd.s32 v1, v4;
	_ =	sdelay $0x1  }
0x116: {  	v3 =	vperm.xlane v3, v2;
	_ =	sdelay $0x1  }
0x117: {  	v3 =	vadd.s32 v1, v3  }
0x118: {  	[tilespmem:s10], [sflag:$0x1] =	stream.indirect_vreg.gather [hbm4b:s1+s3], $0x80, v4, vm0, $0xb8;
	[tilespmem:$0x1E000] =	vst v63  }
0x119: {  	_ = 	snop  }
0x11a: {  	[tilespmem:s13], [sflag:$0x1] =	stream.indirect_vreg.gather [hbm4b:s5+s3], $0x80, v4, vm0, $0xb8;
	[tilespmem:$0x1E000] =	vst v63  }
0x11b: {  	_ = 	snop  }
0x11c: {  	[tilespmem:s14], [sflag:$0x1] =	stream.indirect_vreg.gather [hbm4b:s1+s3], $0x80, v3, vm0, $0xb8;
	[tilespmem:$0x1E000] =	vst v63  }
0x11d: {  	_ = 	snop  }
0x11e: {  	[tilespmem:s15], [sflag:$0x1] =	stream.indirect_vreg.gather [hbm4b:s5+s3], $0x80, v3, vm0, $0xb8;
	[tilespmem:$0x1E000] =	vst v63  }
0x11f: {  	v3 =	vld.msk [tilespmem:$0x2A0], $0xff;
	_ =	sdelay $0x4  }
0x120: {  	v60 =	vshll.u32 v3, $0x2  }
0x121: {  	v3 =	vand.u32 $0x7, v3;
	v4 =	vand.u32 $0xFFFFFFE0, v60  }
0x122: {  	v3 =	vor.u32 v3, v4  }
0x123: {  	v3 =	vperm.xlane v3, v0;
	_ =	sdelay $0x1  }
0x124: {  	v3 =	vadd.s32 v1, v3;
	_ =	sdelay $0x4  }
0x125: {  	[tilespmem:s16], [sflag:$0x1] =	stream.indirect_vreg.gather [hbm4b:s1+s3], $0x80, v3, vm0, $0xb8;
	[tilespmem:$0x1E000] =	vst v63  }
0x126: {  	_ = 	snop  }
0x127: {  	[tilespmem:s6], [sflag:$0x1] =	stream.indirect_vreg.gather [hbm4b:s5+s3], $0x80, v3, vm0, $0xb8;
	[tilespmem:$0x1E000] =	vst v63  }
0x128: {  	_ =	swait.ge [sflag:s24], $0x5000  }
0x129: {  	[sflag:s24] =	ssyncset.done $0x0  }
0x12a: {  	s15 =	rddreg [dreg:$0xe];
	[sflag:s24] =	ssyncadd.s32 $0xFFFFB000  }
0x12b: {  	[hbm4b:s15+s3] =	stream.linear.scatter [tilespmem:s8], [sflag:$0xA], $0x5000, $0x38;
	[tilespmem:$0x1E000] =	vst v63  }
0x12c: {  	_ =	swait.ge [sflag:s25], $0x5000  }
0x12d: {  	[sflag:s25] =	ssyncset.done $0x0  }
0x12e: {  	[sflag:s25] =	ssyncadd.s32 $0xFFFFB000  }
0x12f: {  	v3 =	vld [tilespmem:$0x300];
	_ =	sdelay $0x4  }
0x130: {  	v61 =	vshll.u32 v3, $0x2  }
0x131: {  	v3 =	vand.u32 $0x7, v3;
	v4 =	vand.u32 $0xFFFFFFE0, v61  }
0x132: {  	v3 =	vor.u32 v3, v4  }
0x133: {  	v4 =	vperm.xlane v3, v0;
	_ =	sdelay $0x1  }
0x134: {  	v4 =	vadd.s32 v1, v4;
	_ =	sdelay $0x1  }
0x135: {  	v3 =	vperm.xlane v3, v2;
	_ =	sdelay $0x1  }
0x136: {  	s16 =	simm.s32 $0xA000;
	v3 =	vadd.s32 v1, v3  }
0x137: {  	[tilespmem:s16], [sflag:$0x2] =	stream.indirect_vreg.gather [hbm4b:s1+s3], $0x80, v4, vm0, $0xb8;
	[tilespmem:$0x1E000] =	vst v63  }
0x138: {  	_ = 	snop  }
0x139: {  	[tilespmem:s17], [sflag:$0x2] =	stream.indirect_vreg.gather [hbm4b:s5+s3], $0x80, v4, vm0, $0xb8;
	[tilespmem:$0x1E000] =	vst v63  }
0x13a: {  	_ = 	snop  }
0x13b: {  	[tilespmem:s19], [sflag:$0x2] =	stream.indirect_vreg.gather [hbm4b:s1+s3], $0x80, v3, vm0, $0xb8;
	[tilespmem:$0x1E000] =	vst v63  }
0x13c: {  	_ = 	snop  }
0x13d: {  	[tilespmem:s23], [sflag:$0x2] =	stream.indirect_vreg.gather [hbm4b:s5+s3], $0x80, v3, vm0, $0xb8;
	[tilespmem:$0x1E000] =	vst v63  }
0x13e: {  	v3 =	vld [tilespmem:$0x310];
	_ =	sdelay $0x4  }
0x13f: {  	v62 =	vshll.u32 v3, $0x2  }
0x140: {  	v3 =	vand.u32 $0x7, v3;
	v4 =	vand.u32 $0xFFFFFFE0, v62  }
0x141: {  	v3 =	vor.u32 v3, v4  }
0x142: {  	v4 =	vperm.xlane v3, v0;
	_ =	sdelay $0x1  }
0x143: {  	v4 =	vadd.s32 v1, v4;
	_ =	sdelay $0x1  }
0x144: {  	v3 =	vperm.xlane v3, v2;
	_ =	sdelay $0x1  }
0x145: {  	v3 =	vadd.s32 v1, v3  }
0x146: {  	[tilespmem:s29], [sflag:$0x2] =	stream.indirect_vreg.gather [hbm4b:s1+s3], $0x80, v4, vm0, $0xb8;
	[tilespmem:$0x1E000] =	vst v63  }
0x147: {  	_ = 	snop  }
0x148: {  	[tilespmem:s18], [sflag:$0x2] =	stream.indirect_vreg.gather [hbm4b:s5+s3], $0x80, v4, vm0, $0xb8;
	[tilespmem:$0x1E000] =	vst v63  }
0x149: {  	_ = 	snop  }
0x14a: {  	[tilespmem:s31], [sflag:$0x2] =	stream.indirect_vreg.gather [hbm4b:s1+s3], $0x80, v3, vm0, $0xb8;
	[tilespmem:$0x1E000] =	vst v63  }
0x14b: {  	s19 =	simm.s32 $0xD800  }
0x14c: {  	[tilespmem:s19], [sflag:$0x2] =	stream.indirect_vreg.gather [hbm4b:s5+s3], $0x80, v3, vm0, $0xb8;
	[tilespmem:$0x1E000] =	vst v63  }
0x14d: {  	v3 =	vld.msk [tilespmem:$0x320], $0xff;
	_ =	sdelay $0x4  }
0x14e: {  	v63 =	vshll.u32 v3, $0x2  }
0x14f: {  	v3 =	vand.u32 $0x7, v3;
	v4 =	vand.u32 $0xFFFFFFE0, v63  }
0x150: {  	v3 =	vor.u32 v3, v4  }
0x151: {  	v3 =	vperm.xlane v3, v0;
	_ =	sdelay $0x1  }
0x152: {  	v3 =	vadd.s32 v1, v3  }
0x153: {  	s2 =	simm.s32 $0x0;
	s4 =	simm.s32 $0x5800  }
0x154: {  	s10 =	simm.s32 $0x6800;
	s14 =	simm.s32 $0x7800;
	s6 =	simm.s32 $0xC800  }
0x155: {  	s15 =	simm.s32 $0x8000;
	s8 =	simm.s32 $0xC000;
	s16 =	simm.s32 $0x8800  }
0x156: {  	s17 =	simm.s32 $0x9800;
	s23 =	simm.s32 $0xE000;
	s29 =	simm.s32 $0xE800  }
0x157: {  	[tilespmem:s23], [sflag:$0x2] =	stream.indirect_vreg.gather [hbm4b:s1+s3], $0x80, v3, vm0, $0xb8;
	[tilespmem:$0x1E000] =	vst v63  }
0x158: {  	s18 =	simm.s32 $0xB000;
	s31 =	simm.s32 $0x5A0;
	s19 =	simm.s32 $0xA800  }
0x159: {  	[tilespmem:s29], [sflag:$0x2] =	stream.indirect_vreg.gather [hbm4b:s5+s3], $0x80, v3, vm0, $0xb8;
	[tilespmem:$0x1E000] =	vst v63  }
.LBB2_2:
0x15a: {  	_ =	swait.ge [sflag:s26], $0x5000  }
0x15b: {  	[sflag:s26] =	ssyncset.done $0x0  }
0x15c: {  	[sflag:s26] =	ssyncadd.s32 $0xFFFFB000  }
0x15d: {  	v3 =	vld [tilespmem:s31+$0xFFFFFDE0];
	_ =	sdelay $0x4  }
0x15e: {  	v4 =	vshll.u32 v3, $0x2  }
0x15f: {  	v3 =	vand.u32 $0x7, v3;
	v4 =	vand.u32 $0xFFFFFFE0, v4  }
0x160: {  	v3 =	vor.u32 v3, v4  }
0x161: {  	v4 =	vperm.xlane v3, v0;
	_ =	sdelay $0x1  }
0x162: {  	v4 =	vadd.s32 v1, v4;
	_ =	sdelay $0x1  }
0x163: {  	v3 =	vperm.xlane v3, v2;
	_ =	sdelay $0x1  }
0x164: {  	s12 =	simm.s32 $0xF000;
	v3 =	vadd.s32 v1, v3  }
0x165: {  	[tilespmem:s12], [sflag:$0x3] =	stream.indirect_vreg.gather [hbm4b:s1+s3], $0x80, v4, vm0, $0xb8;
	[tilespmem:$0x1E000] =	vst v63  }
0x166: {  	s0 =	simm.s32 $0xF800  }
0x167: {  	[tilespmem:s0], [sflag:$0x3] =	stream.indirect_vreg.gather [hbm4b:s5+s3], $0x80, v4, vm0, $0xb8;
	[tilespmem:$0x1E000] =	vst v63  }
0x168: {  	s13 =	simm.s32 $0x10000  }
0x169: {  	[tilespmem:s13], [sflag:$0x3] =	stream.indirect_vreg.gather [hbm4b:s1+s3], $0x80, v3, vm0, $0xb8;
	[tilespmem:$0x1E000] =	vst v63  }
0x16a: {  	s23 =	simm.s32 $0x10800  }
0x16b: {  	[tilespmem:s23], [sflag:$0x3] =	stream.indirect_vreg.gather [hbm4b:s5+s3], $0x80, v3, vm0, $0xb8;
	[tilespmem:$0x1E000] =	vst v63  }
0x16c: {  	v3 =	vld [tilespmem:s31+$0xFFFFFDF0];
	_ =	sdelay $0x4  }
0x16d: {  	v50 =	vshll.u32 v3, $0x2  }
0x16e: {  	v3 =	vand.u32 $0x7, v3;
	v4 =	vand.u32 $0xFFFFFFE0, v50  }
0x16f: {  	v3 =	vor.u32 v3, v4  }
0x170: {  	v4 =	vperm.xlane v3, v0;
	_ =	sdelay $0x1  }
0x171: {  	v4 =	vadd.s32 v1, v4;
	_ =	sdelay $0x1  }
0x172: {  	v3 =	vperm.xlane v3, v2;
	_ =	sdelay $0x1  }
0x173: {  	s9 =	simm.s32 $0x11000;
	v3 =	vadd.s32 v1, v3  }
0x174: {  	[tilespmem:s9], [sflag:$0x3] =	stream.indirect_vreg.gather [hbm4b:s1+s3], $0x80, v4, vm0, $0xb8;
	[tilespmem:$0x1E000] =	vst v63  }
0x175: {  	s13 =	simm.s32 $0x11800  }
0x176: {  	[tilespmem:s13], [sflag:$0x3] =	stream.indirect_vreg.gather [hbm4b:s5+s3], $0x80, v4, vm0, $0xb8;
	[tilespmem:$0x1E000] =	vst v63  }
0x177: {  	s23 =	simm.s32 $0x12000  }
0x178: {  	[tilespmem:s23], [sflag:$0x3] =	stream.indirect_vreg.gather [hbm4b:s1+s3], $0x80, v3, vm0, $0xb8;
	[tilespmem:$0x1E000] =	vst v63  }
0x179: {  	s9 =	simm.s32 $0x12800  }
0x17a: {  	[tilespmem:s9], [sflag:$0x3] =	stream.indirect_vreg.gather [hbm4b:s5+s3], $0x80, v3, vm0, $0xb8;
	[tilespmem:$0x1E000] =	vst v63  }
0x17b: {  	v3 =	vld.msk [tilespmem:s31+$0xFFFFFE00], $0xff;
	_ =	sdelay $0x4  }
0x17c: {  	v51 =	vshll.u32 v3, $0x2  }
0x17d: {  	v3 =	vand.u32 $0x7, v3;
	v4 =	vand.u32 $0xFFFFFFE0, v51  }
0x17e: {  	v3 =	vor.u32 v3, v4  }
0x17f: {  	v3 =	vperm.xlane v3, v0;
	_ =	sdelay $0x1  }
0x180: {  	v3 =	vadd.s32 v1, v3;
	_ =	sdelay $0x3  }
0x181: {  	s13 =	simm.s32 $0x13000  }
0x182: {  	[tilespmem:s13], [sflag:$0x3] =	stream.indirect_vreg.gather [hbm4b:s1+s3], $0x80, v3, vm0, $0xb8;
	[tilespmem:$0x1E000] =	vst v63  }
0x183: {  	s23 =	simm.s32 $0x13800  }
0x184: {  	[tilespmem:s23], [sflag:$0x3] =	stream.indirect_vreg.gather [hbm4b:s5+s3], $0x80, v3, vm0, $0xb8;
	[tilespmem:$0x1E000] =	vst v63  }
0x185: {  	_ =	swait.ge [sflag:s11], $0x5000  }
0x186: {  	s9 =	rddreg [dreg:$0x7];
	[sflag:s11] =	ssyncset.done $0x0  }
0x187: {  	s29 =	simm.s32 $0x5000;
	[sflag:s11] =	ssyncadd.s32 $0xFFFFB000;
	s0 =	sadd.s32 s2, s9  }
0x188: {  	[hbm4b:s0+s3] =	stream.linear.scatter [tilespmem:s29], [sflag:$0x6], $0x5000, $0x38;
	[tilespmem:$0x1E000] =	vst v63  }
0x189: {  	_ =	swait.ge [sflag:s28], $0x5000  }
0x18a: {  	[sflag:s28] =	ssyncset.done $0x0  }
0x18b: {  	[sflag:s28] =	ssyncadd.s32 $0xFFFFB000  }
0x18c: {  	v3 =	vld [tilespmem:s31+$0xFFFFFE60];
	_ =	sdelay $0x4  }
0x18d: {  	v52 =	vshll.u32 v3, $0x2  }
0x18e: {  	v3 =	vand.u32 $0x7, v3;
	v4 =	vand.u32 $0xFFFFFFE0, v52  }
0x18f: {  	v3 =	vor.u32 v3, v4  }
0x190: {  	v4 =	vperm.xlane v3, v0;
	_ =	sdelay $0x1  }
0x191: {  	v4 =	vadd.s32 v1, v4;
	_ =	sdelay $0x1  }
0x192: {  	v3 =	vperm.xlane v3, v2;
	_ =	sdelay $0x1  }
0x193: {  	s9 =	simm.s32 $0x14000;
	v3 =	vadd.s32 v1, v3  }
0x194: {  	[tilespmem:s9], [sflag:$0x4] =	stream.indirect_vreg.gather [hbm4b:s1+s3], $0x80, v4, vm0, $0xb8;
	[tilespmem:$0x1E000] =	vst v63  }
0x195: {  	s13 =	simm.s32 $0x14800  }
0x196: {  	[tilespmem:s13], [sflag:$0x4] =	stream.indirect_vreg.gather [hbm4b:s5+s3], $0x80, v4, vm0, $0xb8;
	[tilespmem:$0x1E000] =	vst v63  }
0x197: {  	s23 =	simm.s32 $0x15000  }
0x198: {  	[tilespmem:s23], [sflag:$0x4] =	stream.indirect_vreg.gather [hbm4b:s1+s3], $0x80, v3, vm0, $0xb8;
	[tilespmem:$0x1E000] =	vst v63  }
0x199: {  	s13 =	simm.s32 $0x15800  }
0x19a: {  	[tilespmem:s13], [sflag:$0x4] =	stream.indirect_vreg.gather [hbm4b:s5+s3], $0x80, v3, vm0, $0xb8;
	[tilespmem:$0x1E000] =	vst v63  }
0x19b: {  	v3 =	vld [tilespmem:s31+$0xFFFFFE70];
	_ =	sdelay $0x4  }
0x19c: {  	v53 =	vshll.u32 v3, $0x2  }
0x19d: {  	v3 =	vand.u32 $0x7, v3;
	v4 =	vand.u32 $0xFFFFFFE0, v53  }
0x19e: {  	v3 =	vor.u32 v3, v4  }
0x19f: {  	v4 =	vperm.xlane v3, v0;
	_ =	sdelay $0x1  }
0x1a0: {  	v4 =	vadd.s32 v1, v4;
	_ =	sdelay $0x1  }
0x1a1: {  	v3 =	vperm.xlane v3, v2;
	_ =	sdelay $0x1  }
0x1a2: {  	s23 =	simm.s32 $0x16000;
	v3 =	vadd.s32 v1, v3  }
0x1a3: {  	[tilespmem:s23], [sflag:$0x4] =	stream.indirect_vreg.gather [hbm4b:s1+s3], $0x80, v4, vm0, $0xb8;
	[tilespmem:$0x1E000] =	vst v63  }
0x1a4: {  	s13 =	simm.s32 $0x16800  }
0x1a5: {  	[tilespmem:s13], [sflag:$0x4] =	stream.indirect_vreg.gather [hbm4b:s5+s3], $0x80, v4, vm0, $0xb8;
	[tilespmem:$0x1E000] =	vst v63  }
0x1a6: {  	s23 =	simm.s32 $0x17000  }
0x1a7: {  	[tilespmem:s23], [sflag:$0x4] =	stream.indirect_vreg.gather [hbm4b:s1+s3], $0x80, v3, vm0, $0xb8;
	[tilespmem:$0x1E000] =	vst v63  }
0x1a8: {  	s13 =	simm.s32 $0x17800  }
0x1a9: {  	[tilespmem:s13], [sflag:$0x4] =	stream.indirect_vreg.gather [hbm4b:s5+s3], $0x80, v3, vm0, $0xb8;
	[tilespmem:$0x1E000] =	vst v63  }
0x1aa: {  	v3 =	vld.msk [tilespmem:s31+$0xFFFFFE80], $0xff;
	_ =	sdelay $0x4  }
0x1ab: {  	v54 =	vshll.u32 v3, $0x2  }
0x1ac: {  	v3 =	vand.u32 $0x7, v3;
	v4 =	vand.u32 $0xFFFFFFE0, v54  }
0x1ad: {  	v3 =	vor.u32 v3, v4  }
0x1ae: {  	v3 =	vperm.xlane v3, v0;
	_ =	sdelay $0x1  }
0x1af: {  	v3 =	vadd.s32 v1, v3;
	_ =	sdelay $0x3  }
0x1b0: {  	s23 =	simm.s32 $0x18000  }
0x1b1: {  	[tilespmem:s23], [sflag:$0x4] =	stream.indirect_vreg.gather [hbm4b:s1+s3], $0x80, v3, vm0, $0xb8;
	[tilespmem:$0x1E000] =	vst v63  }
0x1b2: {  	s13 =	simm.s32 $0x18800  }
0x1b3: {  	[tilespmem:s13], [sflag:$0x4] =	stream.indirect_vreg.gather [hbm4b:s5+s3], $0x80, v3, vm0, $0xb8;
	[tilespmem:$0x1E000] =	vst v63  }
0x1b4: {  	_ =	swait.ge [sflag:s22], $0x5000  }
0x1b5: {  	s23 =	rddreg [dreg:$0x8];
	[sflag:s22] =	ssyncset.done $0x0  }
0x1b6: {  	[sflag:s22] =	ssyncadd.s32 $0xFFFFB000;
	s0 =	sadd.s32 s2, s23;
	s23 =	simm.s32 $0xA000  }
0x1b7: {  	[hbm4b:s0+s3] =	stream.linear.scatter [tilespmem:s23], [sflag:$0x7], $0x5000, $0x38;
	[tilespmem:$0x1E000] =	vst v63  }
0x1b8: {  	_ =	swait.ge [sflag:s30], $0x5000  }
0x1b9: {  	[sflag:s30] =	ssyncset.done $0x0  }
0x1ba: {  	[sflag:s30] =	ssyncadd.s32 $0xFFFFB000  }
0x1bb: {  	v3 =	vld [tilespmem:s31+$0xFFFFFEE0];
	_ =	sdelay $0x4  }
0x1bc: {  	v55 =	vshll.u32 v3, $0x2  }
0x1bd: {  	v3 =	vand.u32 $0x7, v3;
	v4 =	vand.u32 $0xFFFFFFE0, v55  }
0x1be: {  	v3 =	vor.u32 v3, v4  }
0x1bf: {  	v4 =	vperm.xlane v3, v0;
	_ =	sdelay $0x1  }
0x1c0: {  	v4 =	vadd.s32 v1, v4;
	_ =	sdelay $0x1  }
0x1c1: {  	v3 =	vperm.xlane v3, v2;
	_ =	sdelay $0x1  }
0x1c2: {  	s13 =	simm.s32 $0x19000;
	v3 =	vadd.s32 v1, v3  }
0x1c3: {  	[tilespmem:s13], [sflag:$0x5] =	stream.indirect_vreg.gather [hbm4b:s1+s3], $0x80, v4, vm0, $0xb8;
	[tilespmem:$0x1E000] =	vst v63  }
0x1c4: {  	s0 =	simm.s32 $0x19800  }
0x1c5: {  	[tilespmem:s0], [sflag:$0x5] =	stream.indirect_vreg.gather [hbm4b:s5+s3], $0x80, v4, vm0, $0xb8;
	[tilespmem:$0x1E000] =	vst v63  }
0x1c6: {  	s0 =	simm.s32 $0x1A000  }
0x1c7: {  	[tilespmem:s0], [sflag:$0x5] =	stream.indirect_vreg.gather [hbm4b:s1+s3], $0x80, v3, vm0, $0xb8;
	[tilespmem:$0x1E000] =	vst v63  }
0x1c8: {  	s0 =	simm.s32 $0x1A800  }
0x1c9: {  	[tilespmem:s0], [sflag:$0x5] =	stream.indirect_vreg.gather [hbm4b:s5+s3], $0x80, v3, vm0, $0xb8;
	[tilespmem:$0x1E000] =	vst v63  }
0x1ca: {  	v3 =	vld [tilespmem:s31+$0xFFFFFEF0];
	_ =	sdelay $0x4  }
0x1cb: {  	v56 =	vshll.u32 v3, $0x2  }
0x1cc: {  	v3 =	vand.u32 $0x7, v3;
	v4 =	vand.u32 $0xFFFFFFE0, v56  }
0x1cd: {  	v3 =	vor.u32 v3, v4  }
0x1ce: {  	v4 =	vperm.xlane v3, v0;
	_ =	sdelay $0x1  }
0x1cf: {  	v4 =	vadd.s32 v1, v4;
	_ =	sdelay $0x1  }
0x1d0: {  	v3 =	vperm.xlane v3, v2;
	_ =	sdelay $0x1  }
0x1d1: {  	s0 =	simm.s32 $0x1B000;
	v3 =	vadd.s32 v1, v3  }
0x1d2: {  	[tilespmem:s0], [sflag:$0x5] =	stream.indirect_vreg.gather [hbm4b:s1+s3], $0x80, v4, vm0, $0xb8;
	[tilespmem:$0x1E000] =	vst v63  }
0x1d3: {  	s0 =	simm.s32 $0x1B800  }
0x1d4: {  	[tilespmem:s0], [sflag:$0x5] =	stream.indirect_vreg.gather [hbm4b:s5+s3], $0x80, v4, vm0, $0xb8;
	[tilespmem:$0x1E000] =	vst v63  }
0x1d5: {  	s0 =	simm.s32 $0x1C000  }
0x1d6: {  	[tilespmem:s0], [sflag:$0x5] =	stream.indirect_vreg.gather [hbm4b:s1+s3], $0x80, v3, vm0, $0xb8;
	[tilespmem:$0x1E000] =	vst v63  }
0x1d7: {  	s0 =	simm.s32 $0x1C800  }
0x1d8: {  	[tilespmem:s0], [sflag:$0x5] =	stream.indirect_vreg.gather [hbm4b:s5+s3], $0x80, v3, vm0, $0xb8;
	[tilespmem:$0x1E000] =	vst v63  }
0x1d9: {  	v3 =	vld.msk [tilespmem:s31+$0xFFFFFF00], $0xff;
	_ =	sdelay $0x4  }
0x1da: {  	v57 =	vshll.u32 v3, $0x2  }
0x1db: {  	v3 =	vand.u32 $0x7, v3;
	v4 =	vand.u32 $0xFFFFFFE0, v57  }
0x1dc: {  	v3 =	vor.u32 v3, v4  }
0x1dd: {  	v3 =	vperm.xlane v3, v0;
	_ =	sdelay $0x1  }
0x1de: {  	v3 =	vadd.s32 v1, v3;
	_ =	sdelay $0x3  }
0x1df: {  	s0 =	simm.s32 $0x1D000  }
0x1e0: {  	[tilespmem:s0], [sflag:$0x5] =	stream.indirect_vreg.gather [hbm4b:s1+s3], $0x80, v3, vm0, $0xb8;
	[tilespmem:$0x1E000] =	vst v63  }
0x1e1: {  	s0 =	simm.s32 $0x1D800  }
0x1e2: {  	[tilespmem:s0], [sflag:$0x5] =	stream.indirect_vreg.gather [hbm4b:s5+s3], $0x80, v3, vm0, $0xb8;
	[tilespmem:$0x1E000] =	vst v63  }
0x1e3: {  	_ =	swait.ge [sflag:s7], $0x5000  }
0x1e4: {  	s0 =	rddreg [dreg:$0x4];
	[sflag:s7] =	ssyncset.done $0x0  }
0x1e5: {  	[sflag:s7] =	ssyncadd.s32 $0xFFFFB000;
	s0 =	sadd.s32 s2, s0  }
0x1e6: {  	[hbm4b:s0+s3] =	stream.linear.scatter [tilespmem:s12], [sflag:$0x8], $0x5000, $0x38;
	[tilespmem:$0x1E000] =	vst v63  }
0x1e7: {  	_ =	swait.ge [sflag:s21], $0x5000  }
0x1e8: {  	[sflag:s21] =	ssyncset.done $0x0  }
0x1e9: {  	[sflag:s21] =	ssyncadd.s32 $0xFFFFB000  }
0x1ea: {  	v3 =	vld [tilespmem:s31+$0xFFFFFF60];
	_ =	sdelay $0x4  }
0x1eb: {  	v58 =	vshll.u32 v3, $0x2  }
0x1ec: {  	v3 =	vand.u32 $0x7, v3;
	v4 =	vand.u32 $0xFFFFFFE0, v58  }
0x1ed: {  	v3 =	vor.u32 v3, v4  }
0x1ee: {  	v4 =	vperm.xlane v3, v0;
	_ =	sdelay $0x1  }
0x1ef: {  	v4 =	vadd.s32 v1, v4;
	_ =	sdelay $0x1  }
0x1f0: {  	v3 =	vperm.xlane v3, v2;
	_ =	sdelay $0x1  }
0x1f1: {  	v3 =	vadd.s32 v1, v3  }
0x1f2: {  	[tilespmem:s29], [sflag:$0x1] =	stream.indirect_vreg.gather [hbm4b:s1+s3], $0x80, v4, vm0, $0xb8;
	[tilespmem:$0x1E000] =	vst v63  }
0x1f3: {  	_ = 	snop  }
0x1f4: {  	[tilespmem:s4], [sflag:$0x1] =	stream.indirect_vreg.gather [hbm4b:s5+s3], $0x80, v4, vm0, $0xb8;
	[tilespmem:$0x1E000] =	vst v63  }
0x1f5: {  	s0 =	simm.s32 $0x6000  }
0x1f6: {  	[tilespmem:s0], [sflag:$0x1] =	stream.indirect_vreg.gather [hbm4b:s1+s3], $0x80, v3, vm0, $0xb8;
	[tilespmem:$0x1E000] =	vst v63  }
0x1f7: {  	_ = 	snop  }
0x1f8: {  	[tilespmem:s10], [sflag:$0x1] =	stream.indirect_vreg.gather [hbm4b:s5+s3], $0x80, v3, vm0, $0xb8;
	[tilespmem:$0x1E000] =	vst v63  }
0x1f9: {  	v3 =	vld [tilespmem:s31+$0xFFFFFF70];
	_ =	sdelay $0x4  }
0x1fa: {  	v59 =	vshll.u32 v3, $0x2  }
0x1fb: {  	v3 =	vand.u32 $0x7, v3;
	v4 =	vand.u32 $0xFFFFFFE0, v59  }
0x1fc: {  	v3 =	vor.u32 v3, v4  }
0x1fd: {  	v4 =	vperm.xlane v3, v0;
	_ =	sdelay $0x1  }
0x1fe: {  	v4 =	vadd.s32 v1, v4;
	_ =	sdelay $0x1  }
0x1ff: {  	v3 =	vperm.xlane v3, v2;
	_ =	sdelay $0x1  }
0x200: {  	s0 =	simm.s32 $0x7000;
	v3 =	vadd.s32 v1, v3  }
0x201: {  	[tilespmem:s0], [sflag:$0x1] =	stream.indirect_vreg.gather [hbm4b:s1+s3], $0x80, v4, vm0, $0xb8;
	[tilespmem:$0x1E000] =	vst v63  }
0x202: {  	_ = 	snop  }
0x203: {  	[tilespmem:s14], [sflag:$0x1] =	stream.indirect_vreg.gather [hbm4b:s5+s3], $0x80, v4, vm0, $0xb8;
	[tilespmem:$0x1E000] =	vst v63  }
0x204: {  	_ = 	snop  }
0x205: {  	[tilespmem:s15], [sflag:$0x1] =	stream.indirect_vreg.gather [hbm4b:s1+s3], $0x80, v3, vm0, $0xb8;
	[tilespmem:$0x1E000] =	vst v63  }
0x206: {  	_ = 	snop  }
0x207: {  	[tilespmem:s16], [sflag:$0x1] =	stream.indirect_vreg.gather [hbm4b:s5+s3], $0x80, v3, vm0, $0xb8;
	[tilespmem:$0x1E000] =	vst v63  }
0x208: {  	v3 =	vld.msk [tilespmem:s31+$0xFFFFFF80], $0xff;
	_ =	sdelay $0x4  }
0x209: {  	v60 =	vshll.u32 v3, $0x2  }
0x20a: {  	v3 =	vand.u32 $0x7, v3;
	v4 =	vand.u32 $0xFFFFFFE0, v60  }
0x20b: {  	v3 =	vor.u32 v3, v4  }
0x20c: {  	v3 =	vperm.xlane v3, v0;
	_ =	sdelay $0x1  }
0x20d: {  	v3 =	vadd.s32 v1, v3;
	_ =	sdelay $0x3  }
0x20e: {  	s0 =	simm.s32 $0x9000  }
0x20f: {  	[tilespmem:s0], [sflag:$0x1] =	stream.indirect_vreg.gather [hbm4b:s1+s3], $0x80, v3, vm0, $0xb8;
	[tilespmem:$0x1E000] =	vst v63  }
0x210: {  	_ = 	snop  }
0x211: {  	[tilespmem:s17], [sflag:$0x1] =	stream.indirect_vreg.gather [hbm4b:s5+s3], $0x80, v3, vm0, $0xb8;
	[tilespmem:$0x1E000] =	vst v63  }
0x212: {  	_ =	swait.ge [sflag:s20], $0x5000  }
0x213: {  	s0 =	rddreg [dreg:$0x5];
	[sflag:s20] =	ssyncset.done $0x0  }
0x214: {  	[sflag:s20] =	ssyncadd.s32 $0xFFFFB000;
	s0 =	sadd.s32 s2, s0  }
0x215: {  	[hbm4b:s0+s3] =	stream.linear.scatter [tilespmem:s9], [sflag:$0x9], $0x5000, $0x38;
	[tilespmem:$0x1E000] =	vst v63  }
0x216: {  	_ =	swait.ge [sflag:s25], $0x5000  }
0x217: {  	[sflag:s25] =	ssyncset.done $0x0  }
0x218: {  	[sflag:s25] =	ssyncadd.s32 $0xFFFFB000  }
0x219: {  	v3 =	vld [tilespmem:s31+$0xFFFFFFE0];
	_ =	sdelay $0x4  }
0x21a: {  	v61 =	vshll.u32 v3, $0x2  }
0x21b: {  	v3 =	vand.u32 $0x7, v3;
	v4 =	vand.u32 $0xFFFFFFE0, v61  }
0x21c: {  	v3 =	vor.u32 v3, v4  }
0x21d: {  	v4 =	vperm.xlane v3, v0;
	_ =	sdelay $0x1  }
0x21e: {  	v4 =	vadd.s32 v1, v4;
	_ =	sdelay $0x1  }
0x21f: {  	v3 =	vperm.xlane v3, v2;
	_ =	sdelay $0x1  }
0x220: {  	v3 =	vadd.s32 v1, v3  }
0x221: {  	[tilespmem:s23], [sflag:$0x2] =	stream.indirect_vreg.gather [hbm4b:s1+s3], $0x80, v4, vm0, $0xb8;
	[tilespmem:$0x1E000] =	vst v63  }
0x222: {  	_ = 	snop  }
0x223: {  	[tilespmem:s19], [sflag:$0x2] =	stream.indirect_vreg.gather [hbm4b:s5+s3], $0x80, v4, vm0, $0xb8;
	[tilespmem:$0x1E000] =	vst v63  }
0x224: {  	_ = 	snop  }
0x225: {  	[tilespmem:s18], [sflag:$0x2] =	stream.indirect_vreg.gather [hbm4b:s1+s3], $0x80, v3, vm0, $0xb8;
	[tilespmem:$0x1E000] =	vst v63  }
0x226: {  	s23 =	simm.s32 $0xB800  }
0x227: {  	[tilespmem:s23], [sflag:$0x2] =	stream.indirect_vreg.gather [hbm4b:s5+s3], $0x80, v3, vm0, $0xb8;
	[tilespmem:$0x1E000] =	vst v63  }
0x228: {  	v3 =	vld [tilespmem:s31+$0xFFFFFFF0];
	_ =	sdelay $0x4  }
0x229: {  	v62 =	vshll.u32 v3, $0x2  }
0x22a: {  	v3 =	vand.u32 $0x7, v3;
	v4 =	vand.u32 $0xFFFFFFE0, v62  }
0x22b: {  	v3 =	vor.u32 v3, v4  }
0x22c: {  	v4 =	vperm.xlane v3, v0;
	_ =	sdelay $0x1  }
0x22d: {  	v4 =	vadd.s32 v1, v4;
	_ =	sdelay $0x1  }
0x22e: {  	v3 =	vperm.xlane v3, v2;
	_ =	sdelay $0x1  }
0x22f: {  	v3 =	vadd.s32 v1, v3  }
0x230: {  	[tilespmem:s8], [sflag:$0x2] =	stream.indirect_vreg.gather [hbm4b:s1+s3], $0x80, v4, vm0, $0xb8;
	[tilespmem:$0x1E000] =	vst v63  }
0x231: {  	_ = 	snop  }
0x232: {  	[tilespmem:s6], [sflag:$0x2] =	stream.indirect_vreg.gather [hbm4b:s5+s3], $0x80, v4, vm0, $0xb8;
	[tilespmem:$0x1E000] =	vst v63  }
0x233: {  	s9 =	simm.s32 $0xD000  }
0x234: {  	[tilespmem:s9], [sflag:$0x2] =	stream.indirect_vreg.gather [hbm4b:s1+s3], $0x80, v3, vm0, $0xb8;
	[tilespmem:$0x1E000] =	vst v63  }
0x235: {  	s9 =	simm.s32 $0xD800  }
0x236: {  	[tilespmem:s9], [sflag:$0x2] =	stream.indirect_vreg.gather [hbm4b:s5+s3], $0x80, v3, vm0, $0xb8;
	[tilespmem:$0x1E000] =	vst v63  }
0x237: {  	v3 =	vld.msk [tilespmem:s31+$0x0], $0xff;
	_ =	sdelay $0x4  }
0x238: {  	v63 =	vshll.u32 v3, $0x2  }
0x239: {  	v3 =	vand.u32 $0x7, v3;
	v4 =	vand.u32 $0xFFFFFFE0, v63  }
0x23a: {  	v3 =	vor.u32 v3, v4  }
0x23b: {  	v3 =	vperm.xlane v3, v0;
	_ =	sdelay $0x1  }
0x23c: {  	v3 =	vadd.s32 v1, v3;
	_ =	sdelay $0x3  }
0x23d: {  	s9 =	simm.s32 $0xE000  }
0x23e: {  	[tilespmem:s9], [sflag:$0x2] =	stream.indirect_vreg.gather [hbm4b:s1+s3], $0x80, v3, vm0, $0xb8;
	[tilespmem:$0x1E000] =	vst v63  }
0x23f: {  	p0 =	sne.s32 s2, $0x5AA00;
	s9 =	simm.s32 $0xE800  }
0x240: {  	[tilespmem:s9], [sflag:$0x2] =	stream.indirect_vreg.gather [hbm4b:s5+s3], $0x80, v3, vm0, $0xb8;
	[tilespmem:$0x1E000] =	vst v63  }
.Ltmp0:
0x241: {  	_ = 	snop;
	(pc) =	sbr.rel @p0 .LBB2_2-.Ltmp0, $4  }
0x242: {  	s12 =	simm.s32 $0x5000;
	s29 =	simm.s32 $0xA000;
	_ =	swait.ge [sflag:s24], $0x5000  }
0x243: {  	s31 =	sadd.s32 $0x280, s31;
	s9 =	rddreg [dreg:$0x6];
	[sflag:s24] =	ssyncset.done $0x0  }
0x244: {  	[sflag:s24] =	ssyncadd.s32 $0xFFFFB000;
	s0 =	sadd.s32 s2, s9;
	s2 =	sadd.s32 $0x3200, s2  }
0x245: {  	[hbm4b:s0+s3] =	stream.linear.scatter [tilespmem:s13], [sflag:$0xA], $0x5000, $0x38;
	[tilespmem:$0x1E000] =	vst v63  }
0x246: {  	_ =	swait.ge [sflag:s11], $0x5000  }
0x247: {  	[sflag:s11] =	ssyncset.done $0x0  }
0x248: {  	s0 =	rddreg [dreg:$0xf];
	[sflag:s11] =	ssyncadd.s32 $0xFFFFB000  }
0x249: {  	[hbm4b:s0+s3] =	stream.linear.scatter [tilespmem:s12], [sflag:$0x6], $0x5000, $0x38;
	[tilespmem:$0x1E000] =	vst v63  }
0x24a: {  	_ =	swait.ge [sflag:s26], $0x5000  }
0x24b: {  	[sflag:s26] =	ssyncset.done $0x0  }
0x24c: {  	[sflag:s26] =	ssyncadd.s32 $0xFFFFB000  }
0x24d: {  	v3 =	vld [tilespmem:$0x4E80];
	_ =	sdelay $0x4  }
0x24e: {  	v4 =	vshll.u32 v3, $0x2  }
0x24f: {  	v3 =	vand.u32 $0x7, v3;
	v4 =	vand.u32 $0xFFFFFFE0, v4  }
0x250: {  	v3 =	vor.u32 v3, v4  }
0x251: {  	v4 =	vperm.xlane v3, v0;
	_ =	sdelay $0x1  }
0x252: {  	v4 =	vadd.s32 v1, v4;
	_ =	sdelay $0x1  }
0x253: {  	v3 =	vperm.xlane v3, v2;
	_ =	sdelay $0x1  }
0x254: {  	s2 =	simm.s32 $0xF000;
	v3 =	vadd.s32 v1, v3  }
0x255: {  	[tilespmem:s2], [sflag:$0x3] =	stream.indirect_vreg.gather [hbm4b:s1+s3], $0x80, v4, vm0, $0xb8;
	[tilespmem:$0x1E000] =	vst v63  }
0x256: {  	s10 =	simm.s32 $0xF800  }
0x257: {  	[tilespmem:s10], [sflag:$0x3] =	stream.indirect_vreg.gather [hbm4b:s5+s3], $0x80, v4, vm0, $0xb8;
	[tilespmem:$0x1E000] =	vst v63  }
0x258: {  	s12 =	simm.s32 $0x10000  }
0x259: {  	[tilespmem:s12], [sflag:$0x3] =	stream.indirect_vreg.gather [hbm4b:s1+s3], $0x80, v3, vm0, $0xb8;
	[tilespmem:$0x1E000] =	vst v63  }
0x25a: {  	s13 =	simm.s32 $0x10800  }
0x25b: {  	[tilespmem:s13], [sflag:$0x3] =	stream.indirect_vreg.gather [hbm4b:s5+s3], $0x80, v3, vm0, $0xb8;
	[tilespmem:$0x1E000] =	vst v63  }
0x25c: {  	v3 =	vld [tilespmem:$0x4E90];
	_ =	sdelay $0x4  }
0x25d: {  	v56 =	vshll.u32 v3, $0x2  }
0x25e: {  	v3 =	vand.u32 $0x7, v3;
	v4 =	vand.u32 $0xFFFFFFE0, v56  }
0x25f: {  	v3 =	vor.u32 v3, v4  }
0x260: {  	v4 =	vperm.xlane v3, v0;
	_ =	sdelay $0x1  }
0x261: {  	v4 =	vadd.s32 v1, v4;
	_ =	sdelay $0x1  }
0x262: {  	v3 =	vperm.xlane v3, v2;
	_ =	sdelay $0x1  }
0x263: {  	s14 =	simm.s32 $0x11000;
	v3 =	vadd.s32 v1, v3  }
0x264: {  	[tilespmem:s14], [sflag:$0x3] =	stream.indirect_vreg.gather [hbm4b:s1+s3], $0x80, v4, vm0, $0xb8;
	[tilespmem:$0x1E000] =	vst v63  }
0x265: {  	s15 =	simm.s32 $0x11800  }
0x266: {  	[tilespmem:s15], [sflag:$0x3] =	stream.indirect_vreg.gather [hbm4b:s5+s3], $0x80, v4, vm0, $0xb8;
	[tilespmem:$0x1E000] =	vst v63  }
0x267: {  	s16 =	simm.s32 $0x12000  }
0x268: {  	[tilespmem:s16], [sflag:$0x3] =	stream.indirect_vreg.gather [hbm4b:s1+s3], $0x80, v3, vm0, $0xb8;
	[tilespmem:$0x1E000] =	vst v63  }
0x269: {  	s17 =	simm.s32 $0x12800  }
0x26a: {  	[tilespmem:s17], [sflag:$0x3] =	stream.indirect_vreg.gather [hbm4b:s5+s3], $0x80, v3, vm0, $0xb8;
	[tilespmem:$0x1E000] =	vst v63  }
0x26b: {  	v3 =	vld.msk [tilespmem:$0x4EA0], $0xff;
	_ =	sdelay $0x4  }
0x26c: {  	v57 =	vshll.u32 v3, $0x2  }
0x26d: {  	v3 =	vand.u32 $0x7, v3;
	v4 =	vand.u32 $0xFFFFFFE0, v57  }
0x26e: {  	v3 =	vor.u32 v3, v4  }
0x26f: {  	v3 =	vperm.xlane v3, v0;
	_ =	sdelay $0x1  }
0x270: {  	v3 =	vadd.s32 v1, v3;
	_ =	sdelay $0x3  }
0x271: {  	s18 =	simm.s32 $0x13000  }
0x272: {  	[tilespmem:s18], [sflag:$0x3] =	stream.indirect_vreg.gather [hbm4b:s1+s3], $0x80, v3, vm0, $0xb8;
	[tilespmem:$0x1E000] =	vst v63  }
0x273: {  	s19 =	simm.s32 $0x13800  }
0x274: {  	[tilespmem:s19], [sflag:$0x3] =	stream.indirect_vreg.gather [hbm4b:s5+s3], $0x80, v3, vm0, $0xb8;
	[tilespmem:$0x1E000] =	vst v63  }
0x275: {  	_ =	swait.ge [sflag:s22], $0x5000  }
0x276: {  	[sflag:s22] =	ssyncset.done $0x0  }
0x277: {  	s4 =	rddreg [dreg:$0x10];
	[sflag:s22] =	ssyncadd.s32 $0xFFFFB000  }
0x278: {  	[hbm4b:s4+s3] =	stream.linear.scatter [tilespmem:s29], [sflag:$0x7], $0x5000, $0x38;
	[tilespmem:$0x1E000] =	vst v63  }
0x279: {  	_ =	swait.ge [sflag:s28], $0x5000  }
0x27a: {  	[sflag:s28] =	ssyncset.done $0x0  }
0x27b: {  	[sflag:s28] =	ssyncadd.s32 $0xFFFFB000  }
0x27c: {  	v3 =	vld [tilespmem:$0x4F00];
	_ =	sdelay $0x4  }
0x27d: {  	v58 =	vshll.u32 v3, $0x2  }
0x27e: {  	v3 =	vand.u32 $0x7, v3;
	v4 =	vand.u32 $0xFFFFFFE0, v58  }
0x27f: {  	v3 =	vor.u32 v3, v4  }
0x280: {  	v4 =	vperm.xlane v3, v0;
	_ =	sdelay $0x1  }
0x281: {  	v4 =	vadd.s32 v1, v4;
	_ =	sdelay $0x1  }
0x282: {  	v3 =	vperm.xlane v3, v2;
	_ =	sdelay $0x1  }
0x283: {  	s4 =	simm.s32 $0x14000;
	v3 =	vadd.s32 v1, v3  }
0x284: {  	[tilespmem:s4], [sflag:$0x4] =	stream.indirect_vreg.gather [hbm4b:s1+s3], $0x80, v4, vm0, $0xb8;
	[tilespmem:$0x1E000] =	vst v63  }
0x285: {  	s6 =	simm.s32 $0x14800  }
0x286: {  	[tilespmem:s6], [sflag:$0x4] =	stream.indirect_vreg.gather [hbm4b:s5+s3], $0x80, v4, vm0, $0xb8;
	[tilespmem:$0x1E000] =	vst v63  }
0x287: {  	s8 =	simm.s32 $0x15000  }
0x288: {  	[tilespmem:s8], [sflag:$0x4] =	stream.indirect_vreg.gather [hbm4b:s1+s3], $0x80, v3, vm0, $0xb8;
	[tilespmem:$0x1E000] =	vst v63  }
0x289: {  	s9 =	simm.s32 $0x15800  }
0x28a: {  	[tilespmem:s9], [sflag:$0x4] =	stream.indirect_vreg.gather [hbm4b:s5+s3], $0x80, v3, vm0, $0xb8;
	[tilespmem:$0x1E000] =	vst v63  }
0x28b: {  	v3 =	vld [tilespmem:$0x4F10];
	_ =	sdelay $0x4  }
0x28c: {  	v59 =	vshll.u32 v3, $0x2  }
0x28d: {  	v3 =	vand.u32 $0x7, v3;
	v4 =	vand.u32 $0xFFFFFFE0, v59  }
0x28e: {  	v3 =	vor.u32 v3, v4  }
0x28f: {  	v4 =	vperm.xlane v3, v0;
	_ =	sdelay $0x1  }
0x290: {  	v4 =	vadd.s32 v1, v4;
	_ =	sdelay $0x1  }
0x291: {  	v3 =	vperm.xlane v3, v2;
	_ =	sdelay $0x1  }
0x292: {  	s10 =	simm.s32 $0x16000;
	v3 =	vadd.s32 v1, v3  }
0x293: {  	[tilespmem:s10], [sflag:$0x4] =	stream.indirect_vreg.gather [hbm4b:s1+s3], $0x80, v4, vm0, $0xb8;
	[tilespmem:$0x1E000] =	vst v63  }
0x294: {  	s12 =	simm.s32 $0x16800  }
0x295: {  	[tilespmem:s12], [sflag:$0x4] =	stream.indirect_vreg.gather [hbm4b:s5+s3], $0x80, v4, vm0, $0xb8;
	[tilespmem:$0x1E000] =	vst v63  }
0x296: {  	s13 =	simm.s32 $0x17000  }
0x297: {  	[tilespmem:s13], [sflag:$0x4] =	stream.indirect_vreg.gather [hbm4b:s1+s3], $0x80, v3, vm0, $0xb8;
	[tilespmem:$0x1E000] =	vst v63  }
0x298: {  	s14 =	simm.s32 $0x17800  }
0x299: {  	[tilespmem:s14], [sflag:$0x4] =	stream.indirect_vreg.gather [hbm4b:s5+s3], $0x80, v3, vm0, $0xb8;
	[tilespmem:$0x1E000] =	vst v63  }
0x29a: {  	v3 =	vld.msk [tilespmem:$0x4F20], $0xff;
	_ =	sdelay $0x4  }
0x29b: {  	v60 =	vshll.u32 v3, $0x2  }
0x29c: {  	v3 =	vand.u32 $0x7, v3;
	v4 =	vand.u32 $0xFFFFFFE0, v60  }
0x29d: {  	v3 =	vor.u32 v3, v4  }
0x29e: {  	v3 =	vperm.xlane v3, v0;
	_ =	sdelay $0x1  }
0x29f: {  	v3 =	vadd.s32 v1, v3;
	_ =	sdelay $0x3  }
0x2a0: {  	s15 =	simm.s32 $0x18000  }
0x2a1: {  	[tilespmem:s15], [sflag:$0x4] =	stream.indirect_vreg.gather [hbm4b:s1+s3], $0x80, v3, vm0, $0xb8;
	[tilespmem:$0x1E000] =	vst v63  }
0x2a2: {  	s16 =	simm.s32 $0x18800  }
0x2a3: {  	[tilespmem:s16], [sflag:$0x4] =	stream.indirect_vreg.gather [hbm4b:s5+s3], $0x80, v3, vm0, $0xb8;
	[tilespmem:$0x1E000] =	vst v63  }
0x2a4: {  	_ =	swait.ge [sflag:s7], $0x5000  }
0x2a5: {  	[sflag:s7] =	ssyncset.done $0x0  }
0x2a6: {  	s17 =	rddreg [dreg:$0x11];
	[sflag:s7] =	ssyncadd.s32 $0xFFFFB000  }
0x2a7: {  	[hbm4b:s17+s3] =	stream.linear.scatter [tilespmem:s2], [sflag:$0x8], $0x5000, $0x38;
	[tilespmem:$0x1E000] =	vst v63  }
0x2a8: {  	_ =	swait.ge [sflag:s30], $0x5000  }
0x2a9: {  	[sflag:s30] =	ssyncset.done $0x0  }
0x2aa: {  	[sflag:s30] =	ssyncadd.s32 $0xFFFFB000  }
0x2ab: {  	v3 =	vld [tilespmem:$0x4F80];
	_ =	sdelay $0x4  }
0x2ac: {  	v61 =	vshll.u32 v3, $0x2  }
0x2ad: {  	v3 =	vand.u32 $0x7, v3;
	v4 =	vand.u32 $0xFFFFFFE0, v61  }
0x2ae: {  	v3 =	vor.u32 v3, v4  }
0x2af: {  	v4 =	vperm.xlane v3, v0;
	_ =	sdelay $0x1  }
0x2b0: {  	v4 =	vadd.s32 v1, v4;
	_ =	sdelay $0x1  }
0x2b1: {  	v3 =	vperm.xlane v3, v2;
	_ =	sdelay $0x1  }
0x2b2: {  	s18 =	simm.s32 $0x19000;
	v3 =	vadd.s32 v1, v3  }
0x2b3: {  	[tilespmem:s18], [sflag:$0x5] =	stream.indirect_vreg.gather [hbm4b:s1+s3], $0x80, v4, vm0, $0xb8;
	[tilespmem:$0x1E000] =	vst v63  }
0x2b4: {  	s19 =	simm.s32 $0x19800  }
0x2b5: {  	[tilespmem:s19], [sflag:$0x5] =	stream.indirect_vreg.gather [hbm4b:s5+s3], $0x80, v4, vm0, $0xb8;
	[tilespmem:$0x1E000] =	vst v63  }
0x2b6: {  	s6 =	simm.s32 $0x1A000  }
0x2b7: {  	[tilespmem:s6], [sflag:$0x5] =	stream.indirect_vreg.gather [hbm4b:s1+s3], $0x80, v3, vm0, $0xb8;
	[tilespmem:$0x1E000] =	vst v63  }
0x2b8: {  	s8 =	simm.s32 $0x1A800  }
0x2b9: {  	[tilespmem:s8], [sflag:$0x5] =	stream.indirect_vreg.gather [hbm4b:s5+s3], $0x80, v3, vm0, $0xb8;
	[tilespmem:$0x1E000] =	vst v63  }
0x2ba: {  	v3 =	vld [tilespmem:$0x4F90];
	_ =	sdelay $0x4  }
0x2bb: {  	v62 =	vshll.u32 v3, $0x2  }
0x2bc: {  	v3 =	vand.u32 $0x7, v3;
	v4 =	vand.u32 $0xFFFFFFE0, v62  }
0x2bd: {  	v3 =	vor.u32 v3, v4  }
0x2be: {  	v4 =	vperm.xlane v3, v0;
	_ =	sdelay $0x1  }
0x2bf: {  	v4 =	vadd.s32 v1, v4;
	_ =	sdelay $0x1  }
0x2c0: {  	v3 =	vperm.xlane v3, v2;
	_ =	sdelay $0x1  }
0x2c1: {  	s9 =	simm.s32 $0x1B000;
	v3 =	vadd.s32 v1, v3  }
0x2c2: {  	[tilespmem:s9], [sflag:$0x5] =	stream.indirect_vreg.gather [hbm4b:s1+s3], $0x80, v4, vm0, $0xb8;
	[tilespmem:$0x1E000] =	vst v63  }
0x2c3: {  	s10 =	simm.s32 $0x1B800  }
0x2c4: {  	[tilespmem:s10], [sflag:$0x5] =	stream.indirect_vreg.gather [hbm4b:s5+s3], $0x80, v4, vm0, $0xb8;
	[tilespmem:$0x1E000] =	vst v63  }
0x2c5: {  	s12 =	simm.s32 $0x1C000  }
0x2c6: {  	[tilespmem:s12], [sflag:$0x5] =	stream.indirect_vreg.gather [hbm4b:s1+s3], $0x80, v3, vm0, $0xb8;
	[tilespmem:$0x1E000] =	vst v63  }
0x2c7: {  	s13 =	simm.s32 $0x1C800  }
0x2c8: {  	[tilespmem:s13], [sflag:$0x5] =	stream.indirect_vreg.gather [hbm4b:s5+s3], $0x80, v3, vm0, $0xb8;
	[tilespmem:$0x1E000] =	vst v63  }
0x2c9: {  	v3 =	vld.msk [tilespmem:$0x4FA0], $0xff;
	_ =	sdelay $0x4  }
0x2ca: {  	v63 =	vshll.u32 v3, $0x2  }
0x2cb: {  	v3 =	vand.u32 $0x7, v3;
	v4 =	vand.u32 $0xFFFFFFE0, v63  }
0x2cc: {  	v3 =	vor.u32 v3, v4  }
0x2cd: {  	v3 =	vperm.xlane v3, v0;
	_ =	sdelay $0x1  }
0x2ce: {  	v3 =	vadd.s32 v1, v3;
	_ =	sdelay $0x3  }
0x2cf: {  	s14 =	simm.s32 $0x1D000  }
0x2d0: {  	[tilespmem:s14], [sflag:$0x5] =	stream.indirect_vreg.gather [hbm4b:s1+s3], $0x80, v3, vm0, $0xb8;
	[tilespmem:$0x1E000] =	vst v63  }
0x2d1: {  	s15 =	simm.s32 $0x1D800  }
0x2d2: {  	[tilespmem:s15], [sflag:$0x5] =	stream.indirect_vreg.gather [hbm4b:s5+s3], $0x80, v3, vm0, $0xb8;
	[tilespmem:$0x1E000] =	vst v63  }
0x2d3: {  	_ =	swait.ge [sflag:s20], $0x5000  }
0x2d4: {  	[sflag:s20] =	ssyncset.done $0x0  }
0x2d5: {  	s16 =	rddreg [dreg:$0x12];
	[sflag:s20] =	ssyncadd.s32 $0xFFFFB000  }
0x2d6: {  	[hbm4b:s16+s3] =	stream.linear.scatter [tilespmem:s4], [sflag:$0x9], $0x5000, $0x38;
	[tilespmem:$0x1E000] =	vst v63  }
0x2d7: {  	_ =	swait.ge [sflag:s24], $0x5000  }
0x2d8: {  	[sflag:s24] =	ssyncset.done $0x0  }
0x2d9: {  	s17 =	rddreg [dreg:$0x13];
	[sflag:s24] =	ssyncadd.s32 $0xFFFFB000  }
0x2da: {  	[hbm4b:s17+s3] =	stream.linear.scatter [tilespmem:s18], [sflag:$0xA], $0x5000, $0x38;
	[tilespmem:$0x1E000] =	vst v63  }
0x2db: {  	_ =	swait.ge [sflag:s21], $0x5000  }
0x2dc: {  	[sflag:s21] =	ssyncset.done $0x0  }
0x2dd: {  	[sflag:s21] =	ssyncadd.s32 $0xFFFFB000  }
0x2de: {  	_ =	swait.ge [sflag:s25], $0x5000  }
0x2df: {  	[sflag:s25] =	ssyncset.done $0x0  }
0x2e0: {  	[sflag:s25] =	ssyncadd.s32 $0xFFFFB000  }
0x2e1: {  	_ =	swait.ge [sflag:s26], $0x5000  }
0x2e2: {  	[sflag:s26] =	ssyncset.done $0x0  }
0x2e3: {  	[sflag:s26] =	ssyncadd.s32 $0xFFFFB000  }
0x2e4: {  	_ =	swait.ge [sflag:s28], $0x5000  }
0x2e5: {  	[sflag:s28] =	ssyncset.done $0x0  }
0x2e6: {  	[sflag:s28] =	ssyncadd.s32 $0xFFFFB000  }
0x2e7: {  	_ =	swait.ge [sflag:s30], $0x5000  }
0x2e8: {  	s18 =	rddreg [dreg:$0x15]  }
0x2e9: {  	s31 =	simm.s32 $0xD000;
	s19 =	rddreg [dreg:$0x14];
	s12 =	sadd.s32 $0x1, s18  }
0x2ea: {  	s29 =	simm.s32 $0xC000;
	s2 =	simm.s32 $0x5800;
	p0 =	sne.s32 s12, s19  }
.Ltmp1:
0x2eb: {  	s6 =	simm.s32 $0x9800;
	s8 =	simm.s32 $0xE800;
	(pc) =	sbr.rel @p0 .LBB2_1-.Ltmp1, $4  }
0x2ec: {  	s9 =	simm.s32 $0x6800;
	s10 =	simm.s32 $0x7000;
	s13 =	simm.s32 $0x7800  }
0x2ed: {  	s14 =	simm.s32 $0x8000;
	s15 =	simm.s32 $0x8800;
	s4 =	simm.s32 $0x6000  }
0x2ee: {  	s16 =	simm.s32 $0x9000;
	s17 =	simm.s32 $0xA800;
	[sflag:s30] =	ssyncset.done $0x0  }
0x2ef: {  	[sflag:s30] =	ssyncadd.s32 $0xFFFFB000;
	s18 =	simm.s32 $0xC800;
	s19 =	simm.s32 $0xB000  }
0x2f0: {  	_ =	sfence.sel $0x180000  }
0x2f1: {  	[bflag:$0x0] =	sbarrier.arrive $0xFFFF  }
0x2f2: {  	_ =	strace $0x90000047  }
0x2f3: {  	s0 =	stileid.u32;
	[bflag:$0x2] =	sbarrier.arrive $0xFFFF  }
0x2f4: {  	p0 =	sne.s32 s0, $0x0;
	s0 =	rddreg [dreg:$0x3]  }
0x2f5: {  	s0 =	sadd.s32 @!p0 $0x100000, s0  }
0x2f6: {  	[sflag:s0] =	ssyncadd.tile.s32 @!p0 $0x1;
	_ =	shalt  }
.Lfunc_end2:
_tile_overlayer_lowered:
.L_overlay_start_2:
0x2f7: {  	(tag) =	ssettag $0x2  }
0x2f8: {  	s0 =	rddreg [dreg:$0x0];
	s2 =	stileid.u32  }
0x2f9: {  	s1 =	rddreg [dreg:$0x1];
	p0 =	sne.s32 s2, $0x0  }
0x2fa: {  	s3 =	rddreg [dreg:$0x2];
	[bflag:$0x3] =	sbarrier.arrive $0xFFFF;
	s2 =	simm.s32 @!p0 $0x1C0B  }
0x2fb: {  	[timem:s3], [sflag:s2] =	dma.local @!p0 [hbm:s0], s1  }
0x2fc: {  	s0 =	simm.s32 @!p0 $0xB  }
0x2fd: {  	_ =	swait.ge @!p0 [sflag:s0], s1  }
0x2fe: {  	s1 =	ssub.s32 @!p0 $0x0, s1;
	[sflag:s0] =	ssyncset.done @!p0 $0x0  }
0x2ff: {  	[sflag:s0] =	ssyncadd.s32 @!p0 s1  }
0x300: {  	[bflag:$0x3] =	sbarrier.arrive $0xFFFF  }
0x301: {  	_ =	shalt  }

</sc_bundles>
